<compile_context>
chip_gen: v7x
topology: tpu7x:2x2x1
jax: 0.10.2.dev20260603
libtpu: 0.0.44.dev20260713+nightly
codegen_flags: <defaults>
</compile_context>

<pallas_src>
import functools

import jax
import jax.numpy as jnp
from jax import lax
from jax.experimental import pallas as pl
from jax.experimental.pallas import tpu as pltpu
from jax.experimental.pallas import tpu_sc as plsc

EMB = 1024
HEADS = 16
P = 64
BS = 4
N = 4096
NC = 16
R = BS * NC
TOTAL_ROWS = R * P
DH = EMB // HEADS


def _idx_w_body(q_ref, wpts_ref, bpts_ref, ww_ref, bw_ref, gidx_ref, w_ref):
    q = q_ref[...].reshape(R, EMB)
    logits_pts = jnp.dot(q, wpts_ref[...], preferred_element_type=jnp.float32)
    logits_pts = logits_pts + bpts_ref[...]
    idx = jnp.floor(jax.nn.sigmoid(logits_pts) * N).astype(jnp.int32)
    idx = jnp.clip(idx, 0, N - 1)
    row_base = (lax.broadcasted_iota(jnp.int32, (R, P), 0) // NC) * N
    gidx_ref[...] = idx + row_base

    logits_w = jnp.dot(q, ww_ref[...], preferred_element_type=jnp.float32)
    logits_w = logits_w + bw_ref[...]
    m = jnp.max(logits_w, axis=-1, keepdims=True)
    e = jnp.exp(logits_w - m)
    w_ref[...] = e / jnp.sum(e, axis=-1, keepdims=True)


def _idx_w(query, W_pts, b_pts, W_w, b_w):
    return pl.pallas_call(
        _idx_w_body,
        out_shape=(
            jax.ShapeDtypeStruct((R, P), jnp.int32),
            jax.ShapeDtypeStruct((R, P), jnp.float32),
        ),
    )(query, W_pts, b_pts.reshape(1, P), W_w, b_w.reshape(1, P))



_NUM_CORES = 2
_NUM_SUBCORES = 16
_NWORK = _NUM_CORES * _NUM_SUBCORES
_NSPLIT = 1
_GROWS = TOTAL_ROWS // _NSPLIT
_QROWS_PER_W = R // _NSPLIT // _NWORK


def _gather_body(split, table_hbm, idx_hbm, out_hbm, idx_v, rows_v, sem):
    wid = lax.axis_index("s") * _NUM_CORES + lax.axis_index("c")
    for j in range(_QROWS_PER_W):
        row = (split * _NWORK + wid) * _QROWS_PER_W + j
        pltpu.sync_copy(idx_hbm.at[row], idx_v)
        pltpu.async_copy(table_hbm.at[idx_v], rows_v, sem).wait()
        pltpu.sync_copy(
            rows_v,
            out_hbm.at[pl.ds((wid * _QROWS_PER_W + j) * P, P)])


@functools.cache
def _make_gather(split):
    return pl.kernel(
        functools.partial(_gather_body, split),
        out_type=jax.ShapeDtypeStruct((_GROWS, EMB), jnp.float32),
        mesh=plsc.VectorSubcoreMesh(
            core_axis_name="c", subcore_axis_name="s",
            num_cores=_NUM_CORES, num_subcores=_NUM_SUBCORES),
        scratch_types=[
            pltpu.VMEM((P,), jnp.int32),
            pltpu.VMEM((P, EMB), jnp.float32),
            pltpu.SemaphoreType.DMA,
        ],
        name=f"deform_gather_{split}",
    )



_RBLK = 16
_GBLK = _RBLK * P
_GRID = R // _RBLK


_NQ = R // _NSPLIT


def _dense_body(split, g_ref, w_ref, q_ref, wk_ref, bk_ref, wv_ref, bv_ref,
                wp_ref, bp_ref, out_ref):
    f32 = jnp.float32
    bf16 = jnp.bfloat16
    i = pl.program_id(0)
    inv_scale = float(EMB) ** -0.5
    x = g_ref[...].astype(bf16)

    qstep = q_ref[pl.ds(i * _RBLK, _RBLK), :]
    qs16 = (qstep * inv_scale).astype(bf16)
    a_parts = []
    for h in range(HEADS):
        wkh = wk_ref[:, h * DH:(h + 1) * DH]
        qh = qs16[:, h * DH:(h + 1) * DH]
        a_parts.append(lax.dot_general(
            wkh, qh, (((1,), (1,)), ((), ())),
            preferred_element_type=f32).astype(bf16))
    a_sub = jnp.concatenate(a_parts, axis=1)

    ccol = lax.broadcasted_iota(jnp.int32, (_GBLK, _RBLK * HEADS), 1)
    grow = lax.broadcasted_iota(jnp.int32, (_GBLK, _RBLK * HEADS), 0)
    mask = ((ccol % _RBLK) == (grow // P)).astype(f32)
    c2 = lax.broadcasted_iota(jnp.int32, (_RBLK * HEADS, HEADS), 0) // _RBLK
    h2 = lax.broadcasted_iota(jnp.int32, (_RBLK * HEADS, HEADS), 1)
    tsel = (c2 == h2).astype(bf16)
    gg = lax.broadcasted_iota(jnp.int32, (_GBLK, _RBLK), 0) // P
    rr = lax.broadcasted_iota(jnp.int32, (_GBLK, _RBLK), 1)
    rep = (gg == rr).astype(bf16)
    jj = lax.broadcasted_iota(jnp.int32, (EMB, HEADS), 0) // DH
    hh = lax.broadcasted_iota(jnp.int32, (EMB, HEADS), 1)
    m_ind = (jj == hh).astype(bf16)

    cbias = jnp.dot((qstep * (bk_ref[...] * inv_scale)).astype(bf16), m_ind,
                    preferred_element_type=f32)

    e2 = jnp.dot(x, a_sub, preferred_element_type=f32)
    em = (e2 * (mask * w_ref[...])).astype(bf16)
    e_gh = (jnp.dot(em, tsel, preferred_element_type=f32)
            + jnp.dot(rep, cbias.astype(bf16), preferred_element_type=f32))
    ex = jnp.exp(e_gh)
    s = lax.dot_general(rep, ex, (((0,), (0,)), ((), ())),
                        preferred_element_type=f32)

    exm = jnp.dot(ex.astype(bf16), tsel.T, preferred_element_type=f32)
    e2w = (exm * (mask * w_ref[...])).astype(bf16)
    z = lax.dot_general(e2w, x, (((0,), (0,)), ((), ())),
                        preferred_element_type=f32)
    zp = jnp.dot(z.astype(bf16), wv_ref[...],
                 preferred_element_type=f32)

    sinv = 1.0 / s
    mt_f = m_ind.T.astype(f32)
    o = jnp.broadcast_to(bv_ref[...], (_RBLK, EMB))
    for h in range(HEADS):
        o = o + (zp[h * _RBLK:(h + 1) * _RBLK, :]
                 * mt_f[h:h + 1, :] * sinv[:, h:h + 1])
    out_ref[...] = (
        jnp.dot(o.astype(bf16), wp_ref[...], preferred_element_type=f32)
        + bp_ref[...]
    )


def _dense(split, g, w_col, q, wk16, b_k, wv16, b_v, wp16, b_p):
    nrows = R // _NSPLIT
    nsteps = nrows // _RBLK
    off = split * nsteps
    full = lambda shape: pl.BlockSpec(shape, lambda i: (0, 0))
    return pl.pallas_call(
        functools.partial(_dense_body, split),
        grid=(nsteps,),
        in_specs=[
            pl.BlockSpec((_GBLK, EMB), lambda i: (i, 0)),
            pl.BlockSpec((_GBLK, 1), lambda i: (i + off, 0)),
            pl.BlockSpec((_NQ, EMB), lambda i: (split, 0)),
            full((EMB, EMB)),
            full((1, EMB)),
            full((EMB, EMB)),
            full((1, EMB)),
            full((EMB, EMB)),
            full((1, EMB)),
        ],
        out_specs=pl.BlockSpec((_RBLK, EMB), lambda i: (i, 0)),
        out_shape=jax.ShapeDtypeStruct((nrows, EMB), jnp.float32),
        name=f"deform_dense_{split}",
    )(g, w_col, q, wk16, b_k.reshape(1, EMB),
      wv16, b_v.reshape(1, EMB), wp16, b_p.reshape(1, EMB))



def kernel(input, query, W_pts, b_pts, W_w, b_w, W_k, b_k, W_v, b_v, W_p, b_p):
    q = query.reshape(R, EMB)
    gidx, w = _idx_w(query, W_pts, b_pts, W_w, b_w)
    table = input.reshape(BS * N, EMB)
    w_f = w.reshape(TOTAL_ROWS, 1)
    wk16 = W_k.astype(jnp.bfloat16)
    wv16 = W_v.astype(jnp.bfloat16)
    wp16 = W_p.astype(jnp.bfloat16)
    outs = []
    for s in range(_NSPLIT):
        g = _make_gather(s)(table, gidx)
        outs.append(_dense(
            s, g, w_f, q, wk16, b_k, wv16, b_v, wp16, b_p))
    out = jnp.concatenate(outs, axis=0)
    return out.reshape(BS, NC, EMB)

# --- scband reference (transcript-rebuilt; emitter-appended) ---
"""Pipeline reference for scband-deformable-cross-attention-7164005449748 (READ-ONLY COPY).

The authoritative reference and input builder live on the scoring server;
editing this copy changes nothing except your own understanding.
"""

import jax, jax.numpy as jnp
import numpy as np

EMB = 1024
HEADS = 16
P = 64

def setup_inputs(seed: int = 0) -> dict:
    key = jax.random.key(seed)
    ks = jax.random.split(key, 10)
    e = EMB
    return {
        "input": jax.random.normal(ks[0], (4, 4096, e), dtype=jnp.float32),
        "query": jax.random.normal(ks[1], (4, 16, e), dtype=jnp.float32),
        "W_pts": jax.random.normal(ks[2], (e, P), dtype=jnp.float32) * 0.02,
        "b_pts": jnp.zeros((P,), dtype=jnp.float32),
        "W_w": jax.random.normal(ks[3], (e, P), dtype=jnp.float32) * 0.02,
        "b_w": jnp.zeros((P,), dtype=jnp.float32),
        "W_k": jax.random.normal(ks[4], (e, e), dtype=jnp.float32) * 0.02,
        "b_k": jnp.zeros((e,), dtype=jnp.float32),
        "W_v": jax.random.normal(ks[5], (e, e), dtype=jnp.float32) * 0.02,
        "b_v": jnp.zeros((e,), dtype=jnp.float32),
        "W_p": jax.random.normal(ks[6], (e, e), dtype=jnp.float32) * 0.02,
        "b_p": jnp.zeros((e,), dtype=jnp.float32),
    }

def reference(input, query, W_pts, b_pts, W_w, b_w, W_k, b_k, W_v, b_v, W_p, b_p):
    bs, n, e = input.shape
    h = HEADS
    dh = e // h
    nc = query.shape[1]
    scaling = e ** 0.5
    outs = []
    for i in range(nc):
        t = query[:, i:i+1, :]                                   # [bs,1,e]
        logits_pts = t @ W_pts + b_pts                           # [bs,1,P]
        idx = jnp.floor(jax.nn.sigmoid(logits_pts) * n).astype(jnp.int32)[:, 0, :]  # [bs,P]
        idx = jnp.clip(idx, 0, n - 1)
        w = jax.nn.softmax((t @ W_w + b_w)[:, 0, :], axis=-1)    # [bs,P]
        gathered = jnp.take_along_axis(input, idx[:, :, None], axis=1)  # [bs,P,e]
        x = gathered * w[:, :, None]
        q = t.reshape(bs, 1, h, dh).transpose(0, 2, 1, 3)        # [bs,h,1,dh]
        k = (x @ W_k + b_k).reshape(bs, -1, h, dh).transpose(0, 2, 1, 3)
        v = (x @ W_v + b_v).reshape(bs, -1, h, dh).transpose(0, 2, 1, 3)
        energy = jnp.einsum('bhqd,bhkd->bhqk', q, k)
        att = jax.nn.softmax(energy / scaling, axis=-1)
        o = jnp.einsum('bhqk,bhkd->bhqd', att, v)
        o = o.transpose(0, 2, 1, 3).reshape(bs, 1, e)
        o = o @ W_p + b_p
        outs.append(jnp.sum(o, axis=1))                          # [bs,e]
    return jnp.stack(outs, axis=1)                               # [bs,nc,e]

if __name__ == "__main__":
    import jax
    _d = setup_inputs()
    print(jax.jit(kernel)(*tuple(_d.values())))

</pallas_src>

<mosaic_0001>
#map = affine_map<(d0, d1) -> (0, 0)>
module attributes {stable_mosaic.version = 14 : i64} {
  func.func @deform_gather_0(%arg0: i32, %arg1: i32, %arg2: memref<16384x1024xf32, #tpu.memory_space<hbm>>, %arg3: memref<64x64xi32, #tpu.memory_space<hbm>>, %arg4: memref<4096x1024xf32, #tpu.memory_space<hbm>>, %arg5: memref<64xi32, #tpu.memory_space<vmem>>, %arg6: memref<64x1024xf32, #tpu.memory_space<vmem>>, %arg7: memref<!tpu.dma_semaphore, #tpu.memory_space<semaphore_mem>>) attributes {dimension_semantics = [#tpu.dimension_semantics<core_parallel>, #tpu.dimension_semantics<subcore_parallel>], iteration_bounds = array<i64: 2, 16>, scalar_prefetch = 0 : i64, scratch_operands = 3 : i64, tpu.core_type = #tpu.core_type<sc_vector_subcore>, window_params = [{transform_indices = #map}, {transform_indices = #map}, {transform_indices = #map}]} {
    %mul3A = arith.constant 2 : i32
    %mul3A_0 = arith.muli %arg1, %mul3A : i32
    %add3A = arith.addi %mul3A_0, %arg0 : i32
    %add3A_1 = arith.constant 0 : i32
    %add3A_2 = arith.addi %add3A_1, %add3A : i32
    %mul3A_3 = arith.constant 2 : i32
    %mul3A_4 = arith.muli %add3A_2, %mul3A_3 : i32
    %add3A_5 = arith.constant 0 : i32
    %add3A_6 = arith.addi %mul3A_4, %add3A_5 : i32
    "tpu.region"() ({
      %run_scoped3A = tpu.sem_alloc : memref<!tpu.dma_semaphore, #tpu.memory_space<semaphore_mem>>
      %dma_start3A_35 = arith.constant 0 : i32
      %dma_start3A_36 = tpu.memref_slice %arg3[%add3A_6, %dma_start3A_35] : memref<64x64xi32, #tpu.memory_space<hbm>> -> memref<1x64xi32, #tpu.memory_space<hbm>>
      %dma_start3A_37 = tpu.memref_squeeze %dma_start3A_36 : memref<1x64xi32, #tpu.memory_space<hbm>> -> memref<64xi32, #tpu.memory_space<hbm>>
      %dma_start3A_38 = arith.constant 0 : i32
      %dma_start3A_39 = tpu.memref_slice %arg3[%add3A_6, %dma_start3A_38] : memref<64x64xi32, #tpu.memory_space<hbm>> -> memref<1x64xi32, #tpu.memory_space<hbm>>
      %dma_start3A_40 = tpu.memref_squeeze %dma_start3A_39 : memref<1x64xi32, #tpu.memory_space<hbm>> -> memref<64xi32, #tpu.memory_space<hbm>>
      tpu.enqueue_dma source(%dma_start3A_40 : memref<64xi32, #tpu.memory_space<hbm>>) target(%arg5 : memref<64xi32, #tpu.memory_space<vmem>>) target_semaphore(%run_scoped3A : memref<!tpu.dma_semaphore, #tpu.memory_space<semaphore_mem>>)
      %dma_wait3A_41 = arith.constant 0 : i32
      %dma_wait3A_42 = tpu.memref_slice %arg3[%add3A_6, %dma_wait3A_41] : memref<64x64xi32, #tpu.memory_space<hbm>> -> memref<1x64xi32, #tpu.memory_space<hbm>>
      %dma_wait3A_43 = tpu.memref_squeeze %dma_wait3A_42 : memref<1x64xi32, #tpu.memory_space<hbm>> -> memref<64xi32, #tpu.memory_space<hbm>>
      %dma_wait3A_44 = arith.constant 0 : i32
      %dma_wait3A_45 = tpu.memref_slice %arg3[%add3A_6, %dma_wait3A_44] : memref<64x64xi32, #tpu.memory_space<hbm>> -> memref<1x64xi32, #tpu.memory_space<hbm>>
      %dma_wait3A_46 = tpu.memref_squeeze %dma_wait3A_45 : memref<1x64xi32, #tpu.memory_space<hbm>> -> memref<64xi32, #tpu.memory_space<hbm>>
      tpu.wait_dma2 semaphore(%run_scoped3A : memref<!tpu.dma_semaphore, #tpu.memory_space<semaphore_mem>>) src(%dma_wait3A_46 : memref<64xi32, #tpu.memory_space<hbm>>) dst(%arg5 : memref<64xi32, #tpu.memory_space<vmem>>)
      tpu.yield
    }) : () -> ()
    %dma_start3A = arith.constant 0 : i32
    %dma_start3A_7 = arith.constant 0 : i32
    %dma_start3A_8 = tpu.memref_slice %arg2[%dma_start3A, %dma_start3A_7] : memref<16384x1024xf32, #tpu.memory_space<hbm>> -> memref<16384x1024xf32, #tpu.memory_space<hbm>>
    tpu.enqueue_indirect_dma source(%dma_start3A_8 : memref<16384x1024xf32, #tpu.memory_space<hbm>>) target(%arg6 : memref<64x1024xf32, #tpu.memory_space<vmem>>) offsets(%arg5 : memref<64xi32, #tpu.memory_space<vmem>>) semaphore(%arg7 : memref<!tpu.dma_semaphore, #tpu.memory_space<semaphore_mem>>)
    %dma_wait3A = arith.constant 0 : i32
    %dma_wait3A_9 = arith.constant 0 : i32
    %dma_wait3A_10 = tpu.memref_slice %arg2[%dma_wait3A, %dma_wait3A_9] : memref<16384x1024xf32, #tpu.memory_space<hbm>> -> memref<16384x1024xf32, #tpu.memory_space<hbm>>
    tpu.wait_indirect_dma semaphore(%arg7 : memref<!tpu.dma_semaphore, #tpu.memory_space<semaphore_mem>>) src(%dma_wait3A_10 : memref<16384x1024xf32, #tpu.memory_space<hbm>>) dst(%arg6 : memref<64x1024xf32, #tpu.memory_space<vmem>>)
    %mul3A_11 = arith.constant 2 : i32
    %mul3A_12 = arith.muli %add3A, %mul3A_11 : i32
    %add3A_13 = arith.constant 0 : i32
    %add3A_14 = arith.addi %mul3A_12, %add3A_13 : i32
    %mul3A_15 = arith.constant 64 : i32
    %mul3A_16 = arith.muli %add3A_14, %mul3A_15 : i32
    "tpu.region"() ({
      %run_scoped3A = tpu.sem_alloc : memref<!tpu.dma_semaphore, #tpu.memory_space<semaphore_mem>>
      %dma_start3A_35 = arith.constant 0 : i32
      %dma_start3A_36 = tpu.memref_slice %arg4[%mul3A_16, %dma_start3A_35] : memref<4096x1024xf32, #tpu.memory_space<hbm>> -> memref<64x1024xf32, #tpu.memory_space<hbm>>
      %dma_start3A_37 = arith.constant 0 : i32
      %dma_start3A_38 = tpu.memref_slice %arg4[%mul3A_16, %dma_start3A_37] : memref<4096x1024xf32, #tpu.memory_space<hbm>> -> memref<64x1024xf32, #tpu.memory_space<hbm>>
      tpu.enqueue_dma source(%arg6 : memref<64x1024xf32, #tpu.memory_space<vmem>>) target(%dma_start3A_38 : memref<64x1024xf32, #tpu.memory_space<hbm>>) target_semaphore(%run_scoped3A : memref<!tpu.dma_semaphore, #tpu.memory_space<semaphore_mem>>)
      %dma_wait3A_39 = arith.constant 0 : i32
      %dma_wait3A_40 = tpu.memref_slice %arg4[%mul3A_16, %dma_wait3A_39] : memref<4096x1024xf32, #tpu.memory_space<hbm>> -> memref<64x1024xf32, #tpu.memory_space<hbm>>
      %dma_wait3A_41 = arith.constant 0 : i32
      %dma_wait3A_42 = tpu.memref_slice %arg4[%mul3A_16, %dma_wait3A_41] : memref<4096x1024xf32, #tpu.memory_space<hbm>> -> memref<64x1024xf32, #tpu.memory_space<hbm>>
      tpu.wait_dma2 semaphore(%run_scoped3A : memref<!tpu.dma_semaphore, #tpu.memory_space<semaphore_mem>>) src(%arg6 : memref<64x1024xf32, #tpu.memory_space<vmem>>) dst(%dma_wait3A_42 : memref<64x1024xf32, #tpu.memory_space<hbm>>)
      tpu.yield
    }) : () -> ()
    %add3A_17 = arith.constant 0 : i32
    %add3A_18 = arith.addi %add3A_17, %add3A : i32
    %mul3A_19 = arith.constant 2 : i32
    %mul3A_20 = arith.muli %add3A_18, %mul3A_19 : i32
    %add3A_21 = arith.constant 1 : i32
    %add3A_22 = arith.addi %mul3A_20, %add3A_21 : i32
    "tpu.region"() ({
      %run_scoped3A = tpu.sem_alloc : memref<!tpu.dma_semaphore, #tpu.memory_space<semaphore_mem>>
      %dma_start3A_35 = arith.constant 0 : i32
      %dma_start3A_36 = tpu.memref_slice %arg3[%add3A_22, %dma_start3A_35] : memref<64x64xi32, #tpu.memory_space<hbm>> -> memref<1x64xi32, #tpu.memory_space<hbm>>
      %dma_start3A_37 = tpu.memref_squeeze %dma_start3A_36 : memref<1x64xi32, #tpu.memory_space<hbm>> -> memref<64xi32, #tpu.memory_space<hbm>>
      %dma_start3A_38 = arith.constant 0 : i32
      %dma_start3A_39 = tpu.memref_slice %arg3[%add3A_22, %dma_start3A_38] : memref<64x64xi32, #tpu.memory_space<hbm>> -> memref<1x64xi32, #tpu.memory_space<hbm>>
      %dma_start3A_40 = tpu.memref_squeeze %dma_start3A_39 : memref<1x64xi32, #tpu.memory_space<hbm>> -> memref<64xi32, #tpu.memory_space<hbm>>
      tpu.enqueue_dma source(%dma_start3A_40 : memref<64xi32, #tpu.memory_space<hbm>>) target(%arg5 : memref<64xi32, #tpu.memory_space<vmem>>) target_semaphore(%run_scoped3A : memref<!tpu.dma_semaphore, #tpu.memory_space<semaphore_mem>>)
      %dma_wait3A_41 = arith.constant 0 : i32
      %dma_wait3A_42 = tpu.memref_slice %arg3[%add3A_22, %dma_wait3A_41] : memref<64x64xi32, #tpu.memory_space<hbm>> -> memref<1x64xi32, #tpu.memory_space<hbm>>
      %dma_wait3A_43 = tpu.memref_squeeze %dma_wait3A_42 : memref<1x64xi32, #tpu.memory_space<hbm>> -> memref<64xi32, #tpu.memory_space<hbm>>
      %dma_wait3A_44 = arith.constant 0 : i32
      %dma_wait3A_45 = tpu.memref_slice %arg3[%add3A_22, %dma_wait3A_44] : memref<64x64xi32, #tpu.memory_space<hbm>> -> memref<1x64xi32, #tpu.memory_space<hbm>>
      %dma_wait3A_46 = tpu.memref_squeeze %dma_wait3A_45 : memref<1x64xi32, #tpu.memory_space<hbm>> -> memref<64xi32, #tpu.memory_space<hbm>>
      tpu.wait_dma2 semaphore(%run_scoped3A : memref<!tpu.dma_semaphore, #tpu.memory_space<semaphore_mem>>) src(%dma_wait3A_46 : memref<64xi32, #tpu.memory_space<hbm>>) dst(%arg5 : memref<64xi32, #tpu.memory_space<vmem>>)
      tpu.yield
    }) : () -> ()
    %dma_start3A_23 = arith.constant 0 : i32
    %dma_start3A_24 = arith.constant 0 : i32
    %dma_start3A_25 = tpu.memref_slice %arg2[%dma_start3A_23, %dma_start3A_24] : memref<16384x1024xf32, #tpu.memory_space<hbm>> -> memref<16384x1024xf32, #tpu.memory_space<hbm>>
    tpu.enqueue_indirect_dma source(%dma_start3A_25 : memref<16384x1024xf32, #tpu.memory_space<hbm>>) target(%arg6 : memref<64x1024xf32, #tpu.memory_space<vmem>>) offsets(%arg5 : memref<64xi32, #tpu.memory_space<vmem>>) semaphore(%arg7 : memref<!tpu.dma_semaphore, #tpu.memory_space<semaphore_mem>>)
    %dma_wait3A_26 = arith.constant 0 : i32
    %dma_wait3A_27 = arith.constant 0 : i32
    %dma_wait3A_28 = tpu.memref_slice %arg2[%dma_wait3A_26, %dma_wait3A_27] : memref<16384x1024xf32, #tpu.memory_space<hbm>> -> memref<16384x1024xf32, #tpu.memory_space<hbm>>
    tpu.wait_indirect_dma semaphore(%arg7 : memref<!tpu.dma_semaphore, #tpu.memory_space<semaphore_mem>>) src(%dma_wait3A_28 : memref<16384x1024xf32, #tpu.memory_space<hbm>>) dst(%arg6 : memref<64x1024xf32, #tpu.memory_space<vmem>>)
    %mul3A_29 = arith.constant 2 : i32
    %mul3A_30 = arith.muli %add3A, %mul3A_29 : i32
    %add3A_31 = arith.constant 1 : i32
    %add3A_32 = arith.addi %mul3A_30, %add3A_31 : i32
    %mul3A_33 = arith.constant 64 : i32
    %mul3A_34 = arith.muli %add3A_32, %mul3A_33 : i32
    "tpu.region"() ({
      %run_scoped3A = tpu.sem_alloc : memref<!tpu.dma_semaphore, #tpu.memory_space<semaphore_mem>>
      %dma_start3A_35 = arith.constant 0 : i32
      %dma_start3A_36 = tpu.memref_slice %arg4[%mul3A_34, %dma_start3A_35] : memref<4096x1024xf32, #tpu.memory_space<hbm>> -> memref<64x1024xf32, #tpu.memory_space<hbm>>
      %dma_start3A_37 = arith.constant 0 : i32
      %dma_start3A_38 = tpu.memref_slice %arg4[%mul3A_34, %dma_start3A_37] : memref<4096x1024xf32, #tpu.memory_space<hbm>> -> memref<64x1024xf32, #tpu.memory_space<hbm>>
      tpu.enqueue_dma source(%arg6 : memref<64x1024xf32, #tpu.memory_space<vmem>>) target(%dma_start3A_38 : memref<64x1024xf32, #tpu.memory_space<hbm>>) target_semaphore(%run_scoped3A : memref<!tpu.dma_semaphore, #tpu.memory_space<semaphore_mem>>)
      %dma_wait3A_39 = arith.constant 0 : i32
      %dma_wait3A_40 = tpu.memref_slice %arg4[%mul3A_34, %dma_wait3A_39] : memref<4096x1024xf32, #tpu.memory_space<hbm>> -> memref<64x1024xf32, #tpu.memory_space<hbm>>
      %dma_wait3A_41 = arith.constant 0 : i32
      %dma_wait3A_42 = tpu.memref_slice %arg4[%mul3A_34, %dma_wait3A_41] : memref<4096x1024xf32, #tpu.memory_space<hbm>> -> memref<64x1024xf32, #tpu.memory_space<hbm>>
      tpu.wait_dma2 semaphore(%run_scoped3A : memref<!tpu.dma_semaphore, #tpu.memory_space<semaphore_mem>>) src(%arg6 : memref<64x1024xf32, #tpu.memory_space<vmem>>) dst(%dma_wait3A_42 : memref<64x1024xf32, #tpu.memory_space<hbm>>)
      tpu.yield
    }) : () -> ()
    return
  }
}

module attributes {stable_mosaic.version = 14 : i64} {
  func.func @_idx_w_body(%arg0: memref<4x16x1024xf32, #tpu.memory_space<vmem>>, %arg1: memref<1024x64xf32, #tpu.memory_space<vmem>>, %arg2: memref<1x64xf32, #tpu.memory_space<vmem>>, %arg3: memref<1024x64xf32, #tpu.memory_space<vmem>>, %arg4: memref<1x64xf32, #tpu.memory_space<vmem>>, %arg5: memref<64x64xi32, #tpu.memory_space<vmem>>, %arg6: memref<64x64xf32, #tpu.memory_space<vmem>>) attributes {dimension_semantics = [], scalar_prefetch = 0 : i64, scratch_operands = 0 : i64, tpu.core_type = #tpu.core_type<tc>} {
    %get3A = arith.constant 0 : index
    %get3A_0 = arith.constant 0 : index
    %get3A_1 = arith.constant 0 : index
    %get3A_2 = vector.load %arg0[%get3A, %get3A_0, %get3A_1] : memref<4x16x1024xf32, #tpu.memory_space<vmem>>, vector<4x16x1024xf32>
    %reshape3A = vector.shape_cast %get3A_2 : vector<4x16x1024xf32> to vector<64x1024xf32>
    %get3A_3 = arith.constant 0 : index
    %get3A_4 = arith.constant 0 : index
    %get3A_5 = vector.load %arg1[%get3A_3, %get3A_4] : memref<1024x64xf32, #tpu.memory_space<vmem>>, vector<1024x64xf32>
    %dot_general3A = arith.constant dense<0.000000e+00> : vector<64x64xf32>
    %dot_general3A_6 = tpu.matmul %reshape3A, %get3A_5, %dot_general3A {dimension_numbers = #tpu.dot_dimension_numbers<[1], [0], [0], [1], [0, 0, 1, 1], [], []>, transpose_lhs_hint = false} : vector<64x1024xf32>, vector<1024x64xf32>, vector<64x64xf32> -> vector<64x64xf32>
    %get3A_7 = arith.constant 0 : index
    %get3A_8 = arith.constant 0 : index
    %get3A_9 = vector.load %arg2[%get3A_7, %get3A_8] : memref<1x64xf32, #tpu.memory_space<vmem>>, vector<1x64xf32>
    %add3A = vector.broadcast %get3A_9 : vector<1x64xf32> to vector<64x64xf32>
    %add3A_10 = arith.addf %dot_general3A_6, %add3A : vector<64x64xf32>
    %logistic3A = arith.negf %add3A_10 : vector<64x64xf32>
    %logistic3A_11 = math.exp %logistic3A : vector<64x64xf32>
    %logistic3A_12 = arith.constant 1.000000e+00 : f32
    %logistic3A_13 = vector.broadcast %logistic3A_12 : f32 to vector<64x64xf32>
    %logistic3A_14 = arith.addf %logistic3A_13, %logistic3A_11 : vector<64x64xf32>
    %logistic3A_15 = arith.divf %logistic3A_13, %logistic3A_14 : vector<64x64xf32>
    %mul3A = arith.constant 4.096000e+03 : f32
    %mul3A_16 = vector.broadcast %mul3A : f32 to vector<64x64xf32>
    %mul3A_17 = arith.mulf %logistic3A_15, %mul3A_16 : vector<64x64xf32>
    %floor3A = math.floor %mul3A_17 : vector<64x64xf32>
    %convert_element_type3A = arith.fptosi %floor3A : vector<64x64xf32> to vector<64x64xi32>
    %jit3A = arith.constant 0 : i32
    %jit3A_18 = arith.constant 4095 : i32
    %max3A = vector.broadcast %jit3A : i32 to vector<64x64xi32>
    %max3A_19 = arith.maxsi %max3A, %convert_element_type3A : vector<64x64xi32>
    %min3A = vector.broadcast %jit3A_18 : i32 to vector<64x64xi32>
    %min3A_20 = arith.minsi %min3A, %max3A_19 : vector<64x64xi32>
    %iota3A = tpu.iota {dimensions = array<i32: 0>} : vector<64x64xi32>
    %jit3A_21 = arith.constant 16 : i32
    %div3A = vector.broadcast %jit3A_21 : i32 to vector<64x64xi32>
    %div3A_22 = arith.divsi %iota3A, %div3A : vector<64x64xi32>
    %sign3A = arith.constant 0 : i32
    %sign3A_23 = vector.broadcast %sign3A : i32 to vector<64x64xi32>
    %sign3A_24 = arith.cmpi sgt, %iota3A, %sign3A_23 : vector<64x64xi32>
    %sign3A_25 = arith.extui %sign3A_24 : vector<64x64xi1> to vector<64x64xi32>
    %sign3A_26 = arith.constant 0 : i32
    %sign3A_27 = vector.broadcast %sign3A_26 : i32 to vector<64x64xi32>
    %sign3A_28 = arith.cmpi slt, %iota3A, %sign3A_27 : vector<64x64xi32>
    %sign3A_29 = arith.extui %sign3A_28 : vector<64x64xi1> to vector<64x64xi32>
    %sign3A_30 = arith.subi %sign3A_25, %sign3A_29 : vector<64x64xi32>
    %sign3A_31 = arith.constant 0 : i32
    %sign3A_32 = arith.cmpi sgt, %jit3A_21, %sign3A_31 : i32
    %sign3A_33 = arith.extui %sign3A_32 : i1 to i32
    %sign3A_34 = arith.constant 0 : i32
    %sign3A_35 = arith.cmpi slt, %jit3A_21, %sign3A_34 : i32
    %sign3A_36 = arith.extui %sign3A_35 : i1 to i32
    %sign3A_37 = arith.subi %sign3A_33, %sign3A_36 : i32
    %ne3A = vector.broadcast %sign3A_37 : i32 to vector<64x64xi32>
    %ne3A_38 = arith.cmpi ne, %sign3A_30, %ne3A : vector<64x64xi32>
    %rem3A = vector.broadcast %jit3A_21 : i32 to vector<64x64xi32>
    %rem3A_39 = arith.remsi %iota3A, %rem3A : vector<64x64xi32>
    %ne3A_40 = arith.constant 0 : i32
    %ne3A_41 = vector.broadcast %ne3A_40 : i32 to vector<64x64xi32>
    %ne3A_42 = arith.cmpi ne, %rem3A_39, %ne3A_41 : vector<64x64xi32>
    %and3A = arith.andi %ne3A_38, %ne3A_42 : vector<64x64xi1>
    %sub3A = arith.constant 1 : i32
    %sub3A_43 = vector.broadcast %sub3A : i32 to vector<64x64xi32>
    %sub3A_44 = arith.subi %div3A_22, %sub3A_43 : vector<64x64xi32>
    %select_n3A = arith.select %and3A, %sub3A_44, %div3A_22 : vector<64x64xi1>, vector<64x64xi32>
    %mul3A_45 = arith.constant 4096 : i32
    %mul3A_46 = vector.broadcast %mul3A_45 : i32 to vector<64x64xi32>
    %mul3A_47 = arith.muli %select_n3A, %mul3A_46 : vector<64x64xi32>
    %add3A_48 = arith.addi %min3A_20, %mul3A_47 : vector<64x64xi32>
    %swap3A = arith.constant 0 : index
    %swap3A_49 = arith.constant 0 : index
    %swap3A_50 = vector.load %arg5[%swap3A, %swap3A_49] : memref<64x64xi32, #tpu.memory_space<vmem>>, vector<64x64xi32>
    tpu.vector_store %arg5[%swap3A, %swap3A_49], %add3A_48 {strides = array<i32>} : memref<64x64xi32, #tpu.memory_space<vmem>>, vector<64x64xi32>,
    %get3A_51 = arith.constant 0 : index
    %get3A_52 = arith.constant 0 : index
    %get3A_53 = vector.load %arg3[%get3A_51, %get3A_52] : memref<1024x64xf32, #tpu.memory_space<vmem>>, vector<1024x64xf32>
    %dot_general3A_54 = arith.constant dense<0.000000e+00> : vector<64x64xf32>
    %dot_general3A_55 = tpu.matmul %reshape3A, %get3A_53, %dot_general3A_54 {dimension_numbers = #tpu.dot_dimension_numbers<[1], [0], [0], [1], [0, 0, 1, 1], [], []>, transpose_lhs_hint = false} : vector<64x1024xf32>, vector<1024x64xf32>, vector<64x64xf32> -> vector<64x64xf32>
    %get3A_56 = arith.constant 0 : index
    %get3A_57 = arith.constant 0 : index
    %get3A_58 = vector.load %arg4[%get3A_56, %get3A_57] : memref<1x64xf32, #tpu.memory_space<vmem>>, vector<1x64xf32>
    %add3A_59 = vector.broadcast %get3A_58 : vector<1x64xf32> to vector<64x64xf32>
    %add3A_60 = arith.addf %dot_general3A_55, %add3A_59 : vector<64x64xf32>
    %reduce_max3A = arith.constant dense<0xFF800000> : vector<64xf32>
    %reduce_max3A_61 = vector.multi_reduction <maximumf>, %add3A_60, %reduce_max3A [1] : vector<64x64xf32> to vector<64xf32>
    %broadcast_in_dim3A = vector.shape_cast %reduce_max3A_61 : vector<64xf32> to vector<64x1xf32>
    %sub3A_62 = vector.broadcast %broadcast_in_dim3A : vector<64x1xf32> to vector<64x64xf32>
    %sub3A_63 = arith.subf %add3A_60, %sub3A_62 : vector<64x64xf32>
    %exp3A = math.exp %sub3A_63 : vector<64x64xf32>
    %reduce_sum3A = arith.constant dense<0.000000e+00> : vector<64xf32>
    %reduce_sum3A_64 = vector.multi_reduction <add>, %exp3A, %reduce_sum3A [1] : vector<64x64xf32> to vector<64xf32>
    %broadcast_in_dim3A_65 = vector.shape_cast %reduce_sum3A_64 : vector<64xf32> to vector<64x1xf32>
    %div3A_66 = vector.broadcast %broadcast_in_dim3A_65 : vector<64x1xf32> to vector<64x64xf32>
    %div3A_67 = arith.divf %exp3A, %div3A_66 : vector<64x64xf32>
    %swap3A_68 = arith.constant 0 : index
    %swap3A_69 = arith.constant 0 : index
    %swap3A_70 = vector.load %arg6[%swap3A_68, %swap3A_69] : memref<64x64xf32, #tpu.memory_space<vmem>>, vector<64x64xf32>
    tpu.vector_store %arg6[%swap3A_68, %swap3A_69], %div3A_67 {strides = array<i32>} : memref<64x64xf32, #tpu.memory_space<vmem>>, vector<64x64xf32>,
    return
  }
}

module attributes {stable_mosaic.version = 14 : i64} {
  func.func @deform_dense_0(%arg0: i32, %arg1: memref<1024x1024xf32, #tpu.memory_space<vmem>>, %arg2: memref<1024x1xf32, #tpu.memory_space<vmem>>, %arg3: memref<64x1024xf32, #tpu.memory_space<vmem>>, %arg4: memref<1024x1024xbf16, #tpu.memory_space<vmem>>, %arg5: memref<1x1024xf32, #tpu.memory_space<vmem>>, %arg6: memref<1024x1024xbf16, #tpu.memory_space<vmem>>, %arg7: memref<1x1024xf32, #tpu.memory_space<vmem>>, %arg8: memref<1024x1024xbf16, #tpu.memory_space<vmem>>, %arg9: memref<1x1024xf32, #tpu.memory_space<vmem>>, %arg10: memref<16x1024xf32, #tpu.memory_space<vmem>>) attributes {dimension_semantics = [#tpu.dimension_semantics<arbitrary>], iteration_bounds = array<i64: 4>, scalar_prefetch = 0 : i64, scratch_operands = 0 : i64, tpu.core_type = #tpu.core_type<tc>, window_params = [{transform_indices = @transform_0, window_bounds = array<i64: 1024, 1024>}, {transform_indices = @transform_1, window_bounds = array<i64: 1024, 1>}, {pipeline_mode = #tpu.pipeline_mode<synchronous>, transform_indices = @transform_2, window_bounds = array<i64: 64, 1024>}, {pipeline_mode = #tpu.pipeline_mode<synchronous>, transform_indices = @transform_3, window_bounds = array<i64: 1024, 1024>}, {pipeline_mode = #tpu.pipeline_mode<synchronous>, transform_indices = @transform_4, window_bounds = array<i64: 1, 1024>}, {pipeline_mode = #tpu.pipeline_mode<synchronous>, transform_indices = @transform_5, window_bounds = array<i64: 1024, 1024>}, {pipeline_mode = #tpu.pipeline_mode<synchronous>, transform_indices = @transform_6, window_bounds = array<i64: 1, 1024>}, {pipeline_mode = #tpu.pipeline_mode<synchronous>, transform_indices = @transform_7, window_bounds = array<i64: 1024, 1024>}, {pipeline_mode = #tpu.pipeline_mode<synchronous>, transform_indices = @transform_8, window_bounds = array<i64: 1, 1024>}, {transform_indices = @transform_9, window_bounds = array<i64: 16, 1024>}]} {
    %get3A = arith.constant 0 : index
    %get3A_0 = arith.constant 0 : index
    %get3A_1 = vector.load %arg1[%get3A, %get3A_0] : memref<1024x1024xf32, #tpu.memory_space<vmem>>, vector<1024x1024xf32>
    %convert_element_type3A = arith.truncf %get3A_1 : vector<1024x1024xf32> to vector<1024x1024xbf16>
    %mul3A = arith.constant 16 : i32
    %mul3A_2 = arith.muli %arg0, %mul3A : i32
    %get3A_3 = arith.index_cast %mul3A_2 : i32 to index
    %get3A_4 = arith.constant 0 : index
    %get3A_5 = vector.load %arg3[%get3A_3, %get3A_4] : memref<64x1024xf32, #tpu.memory_space<vmem>>, vector<16x1024xf32>
    %mul3A_6 = arith.constant 3.125000e-02 : f32
    %mul3A_7 = vector.broadcast %mul3A_6 : f32 to vector<16x1024xf32>
    %mul3A_8 = arith.mulf %get3A_5, %mul3A_7 : vector<16x1024xf32>
    %convert_element_type3A_9 = arith.truncf %mul3A_8 : vector<16x1024xf32> to vector<16x1024xbf16>
    %get3A_10 = arith.constant 0 : index
    %get3A_11 = arith.constant 0 : index
    %get3A_12 = vector.load %arg4[%get3A_10, %get3A_11] : memref<1024x1024xbf16, #tpu.memory_space<vmem>>, vector<1024x64xbf16>
    %slice3A = vector.extract_strided_slice %convert_element_type3A_9 {offsets = [0, 0], sizes = [16, 64], strides = [1, 1]} : vector<16x1024xbf16> to vector<16x64xbf16>
    %dot_general3A = arith.constant dense<0.000000e+00> : vector<1024x16xf32>
    %dot_general3A_13 = tpu.matmul %get3A_12, %slice3A, %dot_general3A {dimension_numbers = #tpu.dot_dimension_numbers<[1], [1], [0], [0], [0, 0, 1, 0], [], []>, transpose_lhs_hint = false} : vector<1024x64xbf16>, vector<16x64xbf16>, vector<1024x16xf32> -> vector<1024x16xf32>
    %convert_element_type3A_14 = arith.truncf %dot_general3A_13 : vector<1024x16xf32> to vector<1024x16xbf16>
    %get3A_15 = arith.constant 0 : index
    %get3A_16 = arith.constant 64 : index
    %get3A_17 = vector.load %arg4[%get3A_15, %get3A_16] : memref<1024x1024xbf16, #tpu.memory_space<vmem>>, vector<1024x64xbf16>
    %slice3A_18 = vector.extract_strided_slice %convert_element_type3A_9 {offsets = [0, 64], sizes = [16, 64], strides = [1, 1]} : vector<16x1024xbf16> to vector<16x64xbf16>
    %dot_general3A_19 = arith.constant dense<0.000000e+00> : vector<1024x16xf32>
    %dot_general3A_20 = tpu.matmul %get3A_17, %slice3A_18, %dot_general3A_19 {dimension_numbers = #tpu.dot_dimension_numbers<[1], [1], [0], [0], [0, 0, 1, 0], [], []>, transpose_lhs_hint = false} : vector<1024x64xbf16>, vector<16x64xbf16>, vector<1024x16xf32> -> vector<1024x16xf32>
    %convert_element_type3A_21 = arith.truncf %dot_general3A_20 : vector<1024x16xf32> to vector<1024x16xbf16>
    %get3A_22 = arith.constant 0 : index
    %get3A_23 = arith.constant 128 : index
    %get3A_24 = vector.load %arg4[%get3A_22, %get3A_23] : memref<1024x1024xbf16, #tpu.memory_space<vmem>>, vector<1024x64xbf16>
    %slice3A_25 = vector.extract_strided_slice %convert_element_type3A_9 {offsets = [0, 128], sizes = [16, 64], strides = [1, 1]} : vector<16x1024xbf16> to vector<16x64xbf16>
    %dot_general3A_26 = arith.constant dense<0.000000e+00> : vector<1024x16xf32>
    %dot_general3A_27 = tpu.matmul %get3A_24, %slice3A_25, %dot_general3A_26 {dimension_numbers = #tpu.dot_dimension_numbers<[1], [1], [0], [0], [0, 0, 1, 0], [], []>, transpose_lhs_hint = false} : vector<1024x64xbf16>, vector<16x64xbf16>, vector<1024x16xf32> -> vector<1024x16xf32>
    %convert_element_type3A_28 = arith.truncf %dot_general3A_27 : vector<1024x16xf32> to vector<1024x16xbf16>
    %get3A_29 = arith.constant 0 : index
    %get3A_30 = arith.constant 192 : index
    %get3A_31 = vector.load %arg4[%get3A_29, %get3A_30] : memref<1024x1024xbf16, #tpu.memory_space<vmem>>, vector<1024x64xbf16>
    %slice3A_32 = vector.extract_strided_slice %convert_element_type3A_9 {offsets = [0, 192], sizes = [16, 64], strides = [1, 1]} : vector<16x1024xbf16> to vector<16x64xbf16>
    %dot_general3A_33 = arith.constant dense<0.000000e+00> : vector<1024x16xf32>
    %dot_general3A_34 = tpu.matmul %get3A_31, %slice3A_32, %dot_general3A_33 {dimension_numbers = #tpu.dot_dimension_numbers<[1], [1], [0], [0], [0, 0, 1, 0], [], []>, transpose_lhs_hint = false} : vector<1024x64xbf16>, vector<16x64xbf16>, vector<1024x16xf32> -> vector<1024x16xf32>
    %convert_element_type3A_35 = arith.truncf %dot_general3A_34 : vector<1024x16xf32> to vector<1024x16xbf16>
    %get3A_36 = arith.constant 0 : index
    %get3A_37 = arith.constant 256 : index
    %get3A_38 = vector.load %arg4[%get3A_36, %get3A_37] : memref<1024x1024xbf16, #tpu.memory_space<vmem>>, vector<1024x64xbf16>
    %slice3A_39 = vector.extract_strided_slice %convert_element_type3A_9 {offsets = [0, 256], sizes = [16, 64], strides = [1, 1]} : vector<16x1024xbf16> to vector<16x64xbf16>
    %dot_general3A_40 = arith.constant dense<0.000000e+00> : vector<1024x16xf32>
    %dot_general3A_41 = tpu.matmul %get3A_38, %slice3A_39, %dot_general3A_40 {dimension_numbers = #tpu.dot_dimension_numbers<[1], [1], [0], [0], [0, 0, 1, 0], [], []>, transpose_lhs_hint = false} : vector<1024x64xbf16>, vector<16x64xbf16>, vector<1024x16xf32> -> vector<1024x16xf32>
    %convert_element_type3A_42 = arith.truncf %dot_general3A_41 : vector<1024x16xf32> to vector<1024x16xbf16>
    %get3A_43 = arith.constant 0 : index
    %get3A_44 = arith.constant 320 : index
    %get3A_45 = vector.load %arg4[%get3A_43, %get3A_44] : memref<1024x1024xbf16, #tpu.memory_space<vmem>>, vector<1024x64xbf16>
    %slice3A_46 = vector.extract_strided_slice %convert_element_type3A_9 {offsets = [0, 320], sizes = [16, 64], strides = [1, 1]} : vector<16x1024xbf16> to vector<16x64xbf16>
    %dot_general3A_47 = arith.constant dense<0.000000e+00> : vector<1024x16xf32>
    %dot_general3A_48 = tpu.matmul %get3A_45, %slice3A_46, %dot_general3A_47 {dimension_numbers = #tpu.dot_dimension_numbers<[1], [1], [0], [0], [0, 0, 1, 0], [], []>, transpose_lhs_hint = false} : vector<1024x64xbf16>, vector<16x64xbf16>, vector<1024x16xf32> -> vector<1024x16xf32>
    %convert_element_type3A_49 = arith.truncf %dot_general3A_48 : vector<1024x16xf32> to vector<1024x16xbf16>
    %get3A_50 = arith.constant 0 : index
    %get3A_51 = arith.constant 384 : index
    %get3A_52 = vector.load %arg4[%get3A_50, %get3A_51] : memref<1024x1024xbf16, #tpu.memory_space<vmem>>, vector<1024x64xbf16>
    %slice3A_53 = vector.extract_strided_slice %convert_element_type3A_9 {offsets = [0, 384], sizes = [16, 64], strides = [1, 1]} : vector<16x1024xbf16> to vector<16x64xbf16>
    %dot_general3A_54 = arith.constant dense<0.000000e+00> : vector<1024x16xf32>
    %dot_general3A_55 = tpu.matmul %get3A_52, %slice3A_53, %dot_general3A_54 {dimension_numbers = #tpu.dot_dimension_numbers<[1], [1], [0], [0], [0, 0, 1, 0], [], []>, transpose_lhs_hint = false} : vector<1024x64xbf16>, vector<16x64xbf16>, vector<1024x16xf32> -> vector<1024x16xf32>
    %convert_element_type3A_56 = arith.truncf %dot_general3A_55 : vector<1024x16xf32> to vector<1024x16xbf16>
    %get3A_57 = arith.constant 0 : index
    %get3A_58 = arith.constant 448 : index
    %get3A_59 = vector.load %arg4[%get3A_57, %get3A_58] : memref<1024x1024xbf16, #tpu.memory_space<vmem>>, vector<1024x64xbf16>
    %slice3A_60 = vector.extract_strided_slice %convert_element_type3A_9 {offsets = [0, 448], sizes = [16, 64], strides = [1, 1]} : vector<16x1024xbf16> to vector<16x64xbf16>
    %dot_general3A_61 = arith.constant dense<0.000000e+00> : vector<1024x16xf32>
    %dot_general3A_62 = tpu.matmul %get3A_59, %slice3A_60, %dot_general3A_61 {dimension_numbers = #tpu.dot_dimension_numbers<[1], [1], [0], [0], [0, 0, 1, 0], [], []>, transpose_lhs_hint = false} : vector<1024x64xbf16>, vector<16x64xbf16>, vector<1024x16xf32> -> vector<1024x16xf32>
    %convert_element_type3A_63 = arith.truncf %dot_general3A_62 : vector<1024x16xf32> to vector<1024x16xbf16>
    %get3A_64 = arith.constant 0 : index
    %get3A_65 = arith.constant 512 : index
    %get3A_66 = vector.load %arg4[%get3A_64, %get3A_65] : memref<1024x1024xbf16, #tpu.memory_space<vmem>>, vector<1024x64xbf16>
    %slice3A_67 = vector.extract_strided_slice %convert_element_type3A_9 {offsets = [0, 512], sizes = [16, 64], strides = [1, 1]} : vector<16x1024xbf16> to vector<16x64xbf16>
    %dot_general3A_68 = arith.constant dense<0.000000e+00> : vector<1024x16xf32>
    %dot_general3A_69 = tpu.matmul %get3A_66, %slice3A_67, %dot_general3A_68 {dimension_numbers = #tpu.dot_dimension_numbers<[1], [1], [0], [0], [0, 0, 1, 0], [], []>, transpose_lhs_hint = false} : vector<1024x64xbf16>, vector<16x64xbf16>, vector<1024x16xf32> -> vector<1024x16xf32>
    %convert_element_type3A_70 = arith.truncf %dot_general3A_69 : vector<1024x16xf32> to vector<1024x16xbf16>
    %get3A_71 = arith.constant 0 : index
    %get3A_72 = arith.constant 576 : index
    %get3A_73 = vector.load %arg4[%get3A_71, %get3A_72] : memref<1024x1024xbf16, #tpu.memory_space<vmem>>, vector<1024x64xbf16>
    %slice3A_74 = vector.extract_strided_slice %convert_element_type3A_9 {offsets = [0, 576], sizes = [16, 64], strides = [1, 1]} : vector<16x1024xbf16> to vector<16x64xbf16>
    %dot_general3A_75 = arith.constant dense<0.000000e+00> : vector<1024x16xf32>
    %dot_general3A_76 = tpu.matmul %get3A_73, %slice3A_74, %dot_general3A_75 {dimension_numbers = #tpu.dot_dimension_numbers<[1], [1], [0], [0], [0, 0, 1, 0], [], []>, transpose_lhs_hint = false} : vector<1024x64xbf16>, vector<16x64xbf16>, vector<1024x16xf32> -> vector<1024x16xf32>
    %convert_element_type3A_77 = arith.truncf %dot_general3A_76 : vector<1024x16xf32> to vector<1024x16xbf16>
    %get3A_78 = arith.constant 0 : index
    %get3A_79 = arith.constant 640 : index
    %get3A_80 = vector.load %arg4[%get3A_78, %get3A_79] : memref<1024x1024xbf16, #tpu.memory_space<vmem>>, vector<1024x64xbf16>
    %slice3A_81 = vector.extract_strided_slice %convert_element_type3A_9 {offsets = [0, 640], sizes = [16, 64], strides = [1, 1]} : vector<16x1024xbf16> to vector<16x64xbf16>
    %dot_general3A_82 = arith.constant dense<0.000000e+00> : vector<1024x16xf32>
    %dot_general3A_83 = tpu.matmul %get3A_80, %slice3A_81, %dot_general3A_82 {dimension_numbers = #tpu.dot_dimension_numbers<[1], [1], [0], [0], [0, 0, 1, 0], [], []>, transpose_lhs_hint = false} : vector<1024x64xbf16>, vector<16x64xbf16>, vector<1024x16xf32> -> vector<1024x16xf32>
    %convert_element_type3A_84 = arith.truncf %dot_general3A_83 : vector<1024x16xf32> to vector<1024x16xbf16>
    %get3A_85 = arith.constant 0 : index
    %get3A_86 = arith.constant 704 : index
    %get3A_87 = vector.load %arg4[%get3A_85, %get3A_86] : memref<1024x1024xbf16, #tpu.memory_space<vmem>>, vector<1024x64xbf16>
    %slice3A_88 = vector.extract_strided_slice %convert_element_type3A_9 {offsets = [0, 704], sizes = [16, 64], strides = [1, 1]} : vector<16x1024xbf16> to vector<16x64xbf16>
    %dot_general3A_89 = arith.constant dense<0.000000e+00> : vector<1024x16xf32>
    %dot_general3A_90 = tpu.matmul %get3A_87, %slice3A_88, %dot_general3A_89 {dimension_numbers = #tpu.dot_dimension_numbers<[1], [1], [0], [0], [0, 0, 1, 0], [], []>, transpose_lhs_hint = false} : vector<1024x64xbf16>, vector<16x64xbf16>, vector<1024x16xf32> -> vector<1024x16xf32>
    %convert_element_type3A_91 = arith.truncf %dot_general3A_90 : vector<1024x16xf32> to vector<1024x16xbf16>
    %get3A_92 = arith.constant 0 : index
    %get3A_93 = arith.constant 768 : index
    %get3A_94 = vector.load %arg4[%get3A_92, %get3A_93] : memref<1024x1024xbf16, #tpu.memory_space<vmem>>, vector<1024x64xbf16>
    %slice3A_95 = vector.extract_strided_slice %convert_element_type3A_9 {offsets = [0, 768], sizes = [16, 64], strides = [1, 1]} : vector<16x1024xbf16> to vector<16x64xbf16>
    %dot_general3A_96 = arith.constant dense<0.000000e+00> : vector<1024x16xf32>
    %dot_general3A_97 = tpu.matmul %get3A_94, %slice3A_95, %dot_general3A_96 {dimension_numbers = #tpu.dot_dimension_numbers<[1], [1], [0], [0], [0, 0, 1, 0], [], []>, transpose_lhs_hint = false} : vector<1024x64xbf16>, vector<16x64xbf16>, vector<1024x16xf32> -> vector<1024x16xf32>
    %convert_element_type3A_98 = arith.truncf %dot_general3A_97 : vector<1024x16xf32> to vector<1024x16xbf16>
    %get3A_99 = arith.constant 0 : index
    %get3A_100 = arith.constant 832 : index
    %get3A_101 = vector.load %arg4[%get3A_99, %get3A_100] : memref<1024x1024xbf16, #tpu.memory_space<vmem>>, vector<1024x64xbf16>
    %slice3A_102 = vector.extract_strided_slice %convert_element_type3A_9 {offsets = [0, 832], sizes = [16, 64], strides = [1, 1]} : vector<16x1024xbf16> to vector<16x64xbf16>
    %dot_general3A_103 = arith.constant dense<0.000000e+00> : vector<1024x16xf32>
    %dot_general3A_104 = tpu.matmul %get3A_101, %slice3A_102, %dot_general3A_103 {dimension_numbers = #tpu.dot_dimension_numbers<[1], [1], [0], [0], [0, 0, 1, 0], [], []>, transpose_lhs_hint = false} : vector<1024x64xbf16>, vector<16x64xbf16>, vector<1024x16xf32> -> vector<1024x16xf32>
    %convert_element_type3A_105 = arith.truncf %dot_general3A_104 : vector<1024x16xf32> to vector<1024x16xbf16>
    %get3A_106 = arith.constant 0 : index
    %get3A_107 = arith.constant 896 : index
    %get3A_108 = vector.load %arg4[%get3A_106, %get3A_107] : memref<1024x1024xbf16, #tpu.memory_space<vmem>>, vector<1024x64xbf16>
    %slice3A_109 = vector.extract_strided_slice %convert_element_type3A_9 {offsets = [0, 896], sizes = [16, 64], strides = [1, 1]} : vector<16x1024xbf16> to vector<16x64xbf16>
    %dot_general3A_110 = arith.constant dense<0.000000e+00> : vector<1024x16xf32>
    %dot_general3A_111 = tpu.matmul %get3A_108, %slice3A_109, %dot_general3A_110 {dimension_numbers = #tpu.dot_dimension_numbers<[1], [1], [0], [0], [0, 0, 1, 0], [], []>, transpose_lhs_hint = false} : vector<1024x64xbf16>, vector<16x64xbf16>, vector<1024x16xf32> -> vector<1024x16xf32>
    %convert_element_type3A_112 = arith.truncf %dot_general3A_111 : vector<1024x16xf32> to vector<1024x16xbf16>
    %get3A_113 = arith.constant 0 : index
    %get3A_114 = arith.constant 960 : index
    %get3A_115 = vector.load %arg4[%get3A_113, %get3A_114] : memref<1024x1024xbf16, #tpu.memory_space<vmem>>, vector<1024x64xbf16>
    %slice3A_116 = vector.extract_strided_slice %convert_element_type3A_9 {offsets = [0, 960], sizes = [16, 64], strides = [1, 1]} : vector<16x1024xbf16> to vector<16x64xbf16>
    %dot_general3A_117 = arith.constant dense<0.000000e+00> : vector<1024x16xf32>
    %dot_general3A_118 = tpu.matmul %get3A_115, %slice3A_116, %dot_general3A_117 {dimension_numbers = #tpu.dot_dimension_numbers<[1], [1], [0], [0], [0, 0, 1, 0], [], []>, transpose_lhs_hint = false} : vector<1024x64xbf16>, vector<16x64xbf16>, vector<1024x16xf32> -> vector<1024x16xf32>
    %convert_element_type3A_119 = arith.truncf %dot_general3A_118 : vector<1024x16xf32> to vector<1024x16xbf16>
    %concatenate3A = tpu.concatenate %convert_element_type3A_14, %convert_element_type3A_21, %convert_element_type3A_28, %convert_element_type3A_35, %convert_element_type3A_42, %convert_element_type3A_49, %convert_element_type3A_56, %convert_element_type3A_63, %convert_element_type3A_70, %convert_element_type3A_77, %convert_element_type3A_84, %convert_element_type3A_91, %convert_element_type3A_98, %convert_element_type3A_105, %convert_element_type3A_112, %convert_element_type3A_119 in 1 : vector<1024x16xbf16>, vector<1024x16xbf16>, vector<1024x16xbf16>, vector<1024x16xbf16>, vector<1024x16xbf16>, vector<1024x16xbf16>, vector<1024x16xbf16>, vector<1024x16xbf16>, vector<1024x16xbf16>, vector<1024x16xbf16>, vector<1024x16xbf16>, vector<1024x16xbf16>, vector<1024x16xbf16>, vector<1024x16xbf16>, vector<1024x16xbf16>, vector<1024x16xbf16> -> vector<1024x256xbf16>
    %iota3A = tpu.iota {dimensions = array<i32: 1>} : vector<1024x256xi32>
    %iota3A_120 = tpu.iota {dimensions = array<i32: 0>} : vector<1024x256xi32>
    %jit3A = arith.constant 16 : i32
    %eq3A = arith.constant 0 : i32
    %eq3A_121 = arith.cmpi eq, %jit3A, %eq3A : i32
    %jit3A_122 = arith.constant 1 : i32
    %select_n3A = arith.select %eq3A_121, %jit3A_122, %jit3A : i32
    %rem3A = vector.broadcast %select_n3A : i32 to vector<1024x256xi32>
    %rem3A_123 = arith.remsi %iota3A, %rem3A : vector<1024x256xi32>
    %ne3A = arith.constant 0 : i32
    %ne3A_124 = vector.broadcast %ne3A : i32 to vector<1024x256xi32>
    %ne3A_125 = arith.cmpi ne, %rem3A_123, %ne3A_124 : vector<1024x256xi32>
    %lt3A = arith.constant 0 : i32
    %lt3A_126 = vector.broadcast %lt3A : i32 to vector<1024x256xi32>
    %lt3A_127 = arith.cmpi slt, %rem3A_123, %lt3A_126 : vector<1024x256xi32>
    %lt3A_128 = arith.constant 0 : i32
    %lt3A_129 = arith.cmpi slt, %select_n3A, %lt3A_128 : i32
    %ne3A_130 = vector.broadcast %lt3A_129 : i1 to vector<1024x256xi1>
    %ne3A_131 = vector.broadcast %ne3A_130 : vector<1024x256xi1> to vector<1024x256xi1>
    %ne3A_132 = arith.xori %lt3A_127, %ne3A_131 : vector<1024x256xi1>
    %and3A = arith.andi %ne3A_132, %ne3A_125 : vector<1024x256xi1>
    %add3A = vector.broadcast %select_n3A : i32 to vector<1024x256xi32>
    %add3A_133 = arith.addi %rem3A_123, %add3A : vector<1024x256xi32>
    %select_n3A_134 = arith.select %and3A, %add3A_133, %rem3A_123 : vector<1024x256xi1>, vector<1024x256xi32>
    %jit3A_135 = arith.constant 64 : i32
    %div3A = vector.broadcast %jit3A_135 : i32 to vector<1024x256xi32>
    %div3A_136 = arith.divsi %iota3A_120, %div3A : vector<1024x256xi32>
    %sign3A = arith.constant 0 : i32
    %sign3A_137 = vector.broadcast %sign3A : i32 to vector<1024x256xi32>
    %sign3A_138 = arith.cmpi sgt, %iota3A_120, %sign3A_137 : vector<1024x256xi32>
    %sign3A_139 = arith.extui %sign3A_138 : vector<1024x256xi1> to vector<1024x256xi32>
    %sign3A_140 = arith.constant 0 : i32
    %sign3A_141 = vector.broadcast %sign3A_140 : i32 to vector<1024x256xi32>
    %sign3A_142 = arith.cmpi slt, %iota3A_120, %sign3A_141 : vector<1024x256xi32>
    %sign3A_143 = arith.extui %sign3A_142 : vector<1024x256xi1> to vector<1024x256xi32>
    %sign3A_144 = arith.subi %sign3A_139, %sign3A_143 : vector<1024x256xi32>
    %sign3A_145 = arith.constant 0 : i32
    %sign3A_146 = arith.cmpi sgt, %jit3A_135, %sign3A_145 : i32
    %sign3A_147 = arith.extui %sign3A_146 : i1 to i32
    %sign3A_148 = arith.constant 0 : i32
    %sign3A_149 = arith.cmpi slt, %jit3A_135, %sign3A_148 : i32
    %sign3A_150 = arith.extui %sign3A_149 : i1 to i32
    %sign3A_151 = arith.subi %sign3A_147, %sign3A_150 : i32
    %ne3A_152 = vector.broadcast %sign3A_151 : i32 to vector<1024x256xi32>
    %ne3A_153 = arith.cmpi ne, %sign3A_144, %ne3A_152 : vector<1024x256xi32>
    %rem3A_154 = vector.broadcast %jit3A_135 : i32 to vector<1024x256xi32>
    %rem3A_155 = arith.remsi %iota3A_120, %rem3A_154 : vector<1024x256xi32>
    %ne3A_156 = arith.constant 0 : i32
    %ne3A_157 = vector.broadcast %ne3A_156 : i32 to vector<1024x256xi32>
    %ne3A_158 = arith.cmpi ne, %rem3A_155, %ne3A_157 : vector<1024x256xi32>
    %and3A_159 = arith.andi %ne3A_153, %ne3A_158 : vector<1024x256xi1>
    %sub3A = arith.constant 1 : i32
    %sub3A_160 = vector.broadcast %sub3A : i32 to vector<1024x256xi32>
    %sub3A_161 = arith.subi %div3A_136, %sub3A_160 : vector<1024x256xi32>
    %select_n3A_162 = arith.select %and3A_159, %sub3A_161, %div3A_136 : vector<1024x256xi1>, vector<1024x256xi32>
    %eq3A_163 = arith.cmpi eq, %select_n3A_134, %select_n3A_162 : vector<1024x256xi32>
    %convert_element_type3A_164 = arith.extui %eq3A_163 : vector<1024x256xi1> to vector<1024x256xi32>
    %convert_element_type3A_165 = arith.sitofp %convert_element_type3A_164 : vector<1024x256xi32> to vector<1024x256xf32>
    %iota3A_166 = tpu.iota {dimensions = array<i32: 0>} : vector<256x16xi32>
    %jit3A_167 = arith.constant 16 : i32
    %div3A_168 = vector.broadcast %jit3A_167 : i32 to vector<256x16xi32>
    %div3A_169 = arith.divsi %iota3A_166, %div3A_168 : vector<256x16xi32>
    %sign3A_170 = arith.constant 0 : i32
    %sign3A_171 = vector.broadcast %sign3A_170 : i32 to vector<256x16xi32>
    %sign3A_172 = arith.cmpi sgt, %iota3A_166, %sign3A_171 : vector<256x16xi32>
    %sign3A_173 = arith.extui %sign3A_172 : vector<256x16xi1> to vector<256x16xi32>
    %sign3A_174 = arith.constant 0 : i32
    %sign3A_175 = vector.broadcast %sign3A_174 : i32 to vector<256x16xi32>
    %sign3A_176 = arith.cmpi slt, %iota3A_166, %sign3A_175 : vector<256x16xi32>
    %sign3A_177 = arith.extui %sign3A_176 : vector<256x16xi1> to vector<256x16xi32>
    %sign3A_178 = arith.subi %sign3A_173, %sign3A_177 : vector<256x16xi32>
    %sign3A_179 = arith.constant 0 : i32
    %sign3A_180 = arith.cmpi sgt, %jit3A_167, %sign3A_179 : i32
    %sign3A_181 = arith.extui %sign3A_180 : i1 to i32
    %sign3A_182 = arith.constant 0 : i32
    %sign3A_183 = arith.cmpi slt, %jit3A_167, %sign3A_182 : i32
    %sign3A_184 = arith.extui %sign3A_183 : i1 to i32
    %sign3A_185 = arith.subi %sign3A_181, %sign3A_184 : i32
    %ne3A_186 = vector.broadcast %sign3A_185 : i32 to vector<256x16xi32>
    %ne3A_187 = arith.cmpi ne, %sign3A_178, %ne3A_186 : vector<256x16xi32>
    %rem3A_188 = vector.broadcast %jit3A_167 : i32 to vector<256x16xi32>
    %rem3A_189 = arith.remsi %iota3A_166, %rem3A_188 : vector<256x16xi32>
    %ne3A_190 = arith.constant 0 : i32
    %ne3A_191 = vector.broadcast %ne3A_190 : i32 to vector<256x16xi32>
    %ne3A_192 = arith.cmpi ne, %rem3A_189, %ne3A_191 : vector<256x16xi32>
    %and3A_193 = arith.andi %ne3A_187, %ne3A_192 : vector<256x16xi1>
    %sub3A_194 = arith.constant 1 : i32
    %sub3A_195 = vector.broadcast %sub3A_194 : i32 to vector<256x16xi32>
    %sub3A_196 = arith.subi %div3A_169, %sub3A_195 : vector<256x16xi32>
    %select_n3A_197 = arith.select %and3A_193, %sub3A_196, %div3A_169 : vector<256x16xi1>, vector<256x16xi32>
    %iota3A_198 = tpu.iota {dimensions = array<i32: 1>} : vector<256x16xi32>
    %eq3A_199 = arith.cmpi eq, %select_n3A_197, %iota3A_198 : vector<256x16xi32>
    %convert_element_type3A_200 = arith.extui %eq3A_199 : vector<256x16xi1> to vector<256x16xi32>
    %convert_element_type3A_201 = arith.sitofp %convert_element_type3A_200 : vector<256x16xi32> to vector<256x16xf32>
    %convert_element_type3A_202 = arith.truncf %convert_element_type3A_201 : vector<256x16xf32> to vector<256x16xbf16>
    %iota3A_203 = tpu.iota {dimensions = array<i32: 0>} : vector<1024x16xi32>
    %jit3A_204 = arith.constant 64 : i32
    %div3A_205 = vector.broadcast %jit3A_204 : i32 to vector<1024x16xi32>
    %div3A_206 = arith.divsi %iota3A_203, %div3A_205 : vector<1024x16xi32>
    %sign3A_207 = arith.constant 0 : i32
    %sign3A_208 = vector.broadcast %sign3A_207 : i32 to vector<1024x16xi32>
    %sign3A_209 = arith.cmpi sgt, %iota3A_203, %sign3A_208 : vector<1024x16xi32>
    %sign3A_210 = arith.extui %sign3A_209 : vector<1024x16xi1> to vector<1024x16xi32>
    %sign3A_211 = arith.constant 0 : i32
    %sign3A_212 = vector.broadcast %sign3A_211 : i32 to vector<1024x16xi32>
    %sign3A_213 = arith.cmpi slt, %iota3A_203, %sign3A_212 : vector<1024x16xi32>
    %sign3A_214 = arith.extui %sign3A_213 : vector<1024x16xi1> to vector<1024x16xi32>
    %sign3A_215 = arith.subi %sign3A_210, %sign3A_214 : vector<1024x16xi32>
    %sign3A_216 = arith.constant 0 : i32
    %sign3A_217 = arith.cmpi sgt, %jit3A_204, %sign3A_216 : i32
    %sign3A_218 = arith.extui %sign3A_217 : i1 to i32
    %sign3A_219 = arith.constant 0 : i32
    %sign3A_220 = arith.cmpi slt, %jit3A_204, %sign3A_219 : i32
    %sign3A_221 = arith.extui %sign3A_220 : i1 to i32
    %sign3A_222 = arith.subi %sign3A_218, %sign3A_221 : i32
    %ne3A_223 = vector.broadcast %sign3A_222 : i32 to vector<1024x16xi32>
    %ne3A_224 = arith.cmpi ne, %sign3A_215, %ne3A_223 : vector<1024x16xi32>
    %rem3A_225 = vector.broadcast %jit3A_204 : i32 to vector<1024x16xi32>
    %rem3A_226 = arith.remsi %iota3A_203, %rem3A_225 : vector<1024x16xi32>
    %ne3A_227 = arith.constant 0 : i32
    %ne3A_228 = vector.broadcast %ne3A_227 : i32 to vector<1024x16xi32>
    %ne3A_229 = arith.cmpi ne, %rem3A_226, %ne3A_228 : vector<1024x16xi32>
    %and3A_230 = arith.andi %ne3A_224, %ne3A_229 : vector<1024x16xi1>
    %sub3A_231 = arith.constant 1 : i32
    %sub3A_232 = vector.broadcast %sub3A_231 : i32 to vector<1024x16xi32>
    %sub3A_233 = arith.subi %div3A_206, %sub3A_232 : vector<1024x16xi32>
    %select_n3A_234 = arith.select %and3A_230, %sub3A_233, %div3A_206 : vector<1024x16xi1>, vector<1024x16xi32>
    %iota3A_235 = tpu.iota {dimensions = array<i32: 1>} : vector<1024x16xi32>
    %eq3A_236 = arith.cmpi eq, %select_n3A_234, %iota3A_235 : vector<1024x16xi32>
    %convert_element_type3A_237 = arith.extui %eq3A_236 : vector<1024x16xi1> to vector<1024x16xi32>
    %convert_element_type3A_238 = arith.sitofp %convert_element_type3A_237 : vector<1024x16xi32> to vector<1024x16xf32>
    %convert_element_type3A_239 = arith.truncf %convert_element_type3A_238 : vector<1024x16xf32> to vector<1024x16xbf16>
    %iota3A_240 = tpu.iota {dimensions = array<i32: 0>} : vector<1024x16xi32>
    %jit3A_241 = arith.constant 64 : i32
    %div3A_242 = vector.broadcast %jit3A_241 : i32 to vector<1024x16xi32>
    %div3A_243 = arith.divsi %iota3A_240, %div3A_242 : vector<1024x16xi32>
    %sign3A_244 = arith.constant 0 : i32
    %sign3A_245 = vector.broadcast %sign3A_244 : i32 to vector<1024x16xi32>
    %sign3A_246 = arith.cmpi sgt, %iota3A_240, %sign3A_245 : vector<1024x16xi32>
    %sign3A_247 = arith.extui %sign3A_246 : vector<1024x16xi1> to vector<1024x16xi32>
    %sign3A_248 = arith.constant 0 : i32
    %sign3A_249 = vector.broadcast %sign3A_248 : i32 to vector<1024x16xi32>
    %sign3A_250 = arith.cmpi slt, %iota3A_240, %sign3A_249 : vector<1024x16xi32>
    %sign3A_251 = arith.extui %sign3A_250 : vector<1024x16xi1> to vector<1024x16xi32>
    %sign3A_252 = arith.subi %sign3A_247, %sign3A_251 : vector<1024x16xi32>
    %sign3A_253 = arith.constant 0 : i32
    %sign3A_254 = arith.cmpi sgt, %jit3A_241, %sign3A_253 : i32
    %sign3A_255 = arith.extui %sign3A_254 : i1 to i32
    %sign3A_256 = arith.constant 0 : i32
    %sign3A_257 = arith.cmpi slt, %jit3A_241, %sign3A_256 : i32
    %sign3A_258 = arith.extui %sign3A_257 : i1 to i32
    %sign3A_259 = arith.subi %sign3A_255, %sign3A_258 : i32
    %ne3A_260 = vector.broadcast %sign3A_259 : i32 to vector<1024x16xi32>
    %ne3A_261 = arith.cmpi ne, %sign3A_252, %ne3A_260 : vector<1024x16xi32>
    %rem3A_262 = vector.broadcast %jit3A_241 : i32 to vector<1024x16xi32>
    %rem3A_263 = arith.remsi %iota3A_240, %rem3A_262 : vector<1024x16xi32>
    %ne3A_264 = arith.constant 0 : i32
    %ne3A_265 = vector.broadcast %ne3A_264 : i32 to vector<1024x16xi32>
    %ne3A_266 = arith.cmpi ne, %rem3A_263, %ne3A_265 : vector<1024x16xi32>
    %and3A_267 = arith.andi %ne3A_261, %ne3A_266 : vector<1024x16xi1>
    %sub3A_268 = arith.constant 1 : i32
    %sub3A_269 = vector.broadcast %sub3A_268 : i32 to vector<1024x16xi32>
    %sub3A_270 = arith.subi %div3A_243, %sub3A_269 : vector<1024x16xi32>
    %select_n3A_271 = arith.select %and3A_267, %sub3A_270, %div3A_243 : vector<1024x16xi1>, vector<1024x16xi32>
    %iota3A_272 = tpu.iota {dimensions = array<i32: 1>} : vector<1024x16xi32>
    %eq3A_273 = arith.cmpi eq, %select_n3A_271, %iota3A_272 : vector<1024x16xi32>
    %convert_element_type3A_274 = arith.extui %eq3A_273 : vector<1024x16xi1> to vector<1024x16xi32>
    %convert_element_type3A_275 = arith.sitofp %convert_element_type3A_274 : vector<1024x16xi32> to vector<1024x16xf32>
    %convert_element_type3A_276 = arith.truncf %convert_element_type3A_275 : vector<1024x16xf32> to vector<1024x16xbf16>
    %get3A_277 = arith.constant 0 : index
    %get3A_278 = arith.constant 0 : index
    %get3A_279 = vector.load %arg5[%get3A_277, %get3A_278] : memref<1x1024xf32, #tpu.memory_space<vmem>>, vector<1x1024xf32>
    %mul3A_280 = arith.constant 3.125000e-02 : f32
    %mul3A_281 = vector.broadcast %mul3A_280 : f32 to vector<1x1024xf32>
    %mul3A_282 = arith.mulf %get3A_279, %mul3A_281 : vector<1x1024xf32>
    %mul3A_283 = vector.broadcast %mul3A_282 : vector<1x1024xf32> to vector<16x1024xf32>
    %mul3A_284 = arith.mulf %get3A_5, %mul3A_283 : vector<16x1024xf32>
    %convert_element_type3A_285 = arith.truncf %mul3A_284 : vector<16x1024xf32> to vector<16x1024xbf16>
    %dot_general3A_286 = arith.constant dense<0.000000e+00> : vector<16x16xf32>
    %dot_general3A_287 = tpu.matmul %convert_element_type3A_285, %convert_element_type3A_276, %dot_general3A_286 {dimension_numbers = #tpu.dot_dimension_numbers<[1], [0], [0], [1], [0, 0, 1, 1], [], []>, transpose_lhs_hint = false} : vector<16x1024xbf16>, vector<1024x16xbf16>, vector<16x16xf32> -> vector<16x16xf32>
    %dot_general3A_288 = arith.constant dense<0.000000e+00> : vector<1024x256xf32>
    %dot_general3A_289 = tpu.matmul %convert_element_type3A, %concatenate3A, %dot_general3A_288 {dimension_numbers = #tpu.dot_dimension_numbers<[1], [0], [0], [1], [0, 0, 1, 1], [], []>, transpose_lhs_hint = false} : vector<1024x1024xbf16>, vector<1024x256xbf16>, vector<1024x256xf32> -> vector<1024x256xf32>
    %get3A_290 = arith.constant 0 : index
    %get3A_291 = arith.constant 0 : index
    %get3A_292 = vector.load %arg2[%get3A_290, %get3A_291] : memref<1024x1xf32, #tpu.memory_space<vmem>>, vector<1024x1xf32>
    %mul3A_293 = vector.broadcast %get3A_292 : vector<1024x1xf32> to vector<1024x256xf32>
    %mul3A_294 = arith.mulf %convert_element_type3A_165, %mul3A_293 : vector<1024x256xf32>
    %mul3A_295 = arith.mulf %dot_general3A_289, %mul3A_294 : vector<1024x256xf32>
    %convert_element_type3A_296 = arith.truncf %mul3A_295 : vector<1024x256xf32> to vector<1024x256xbf16>
    %dot_general3A_297 = arith.constant dense<0.000000e+00> : vector<1024x16xf32>
    %dot_general3A_298 = tpu.matmul %convert_element_type3A_296, %convert_element_type3A_202, %dot_general3A_297 {dimension_numbers = #tpu.dot_dimension_numbers<[1], [0], [0], [1], [0, 0, 1, 1], [], []>, transpose_lhs_hint = false} : vector<1024x256xbf16>, vector<256x16xbf16>, vector<1024x16xf32> -> vector<1024x16xf32>
    %convert_element_type3A_299 = arith.truncf %dot_general3A_287 : vector<16x16xf32> to vector<16x16xbf16>
    %dot_general3A_300 = arith.constant dense<0.000000e+00> : vector<1024x16xf32>
    %dot_general3A_301 = tpu.matmul %convert_element_type3A_239, %convert_element_type3A_299, %dot_general3A_300 {dimension_numbers = #tpu.dot_dimension_numbers<[1], [0], [0], [1], [0, 0, 1, 1], [], []>, transpose_lhs_hint = false} : vector<1024x16xbf16>, vector<16x16xbf16>, vector<1024x16xf32> -> vector<1024x16xf32>
    %add3A_302 = arith.addf %dot_general3A_298, %dot_general3A_301 : vector<1024x16xf32>
    %exp3A = math.exp %add3A_302 : vector<1024x16xf32>
    %dot_general3A_303 = arith.constant dense<0.000000e+00> : vector<16x16xf32>
    %dot_general3A_304 = tpu.matmul %convert_element_type3A_239, %exp3A, %dot_general3A_303 {dimension_numbers = #tpu.dot_dimension_numbers<[0], [0], [1], [1], [0, 1, 1, 1], [], []>, transpose_lhs_hint = false} : vector<1024x16xbf16>, vector<1024x16xf32>, vector<16x16xf32> -> vector<16x16xf32>
    %convert_element_type3A_305 = arith.truncf %exp3A : vector<1024x16xf32> to vector<1024x16xbf16>
    %transpose3A = tpu.transpose %convert_element_type3A_202, [1, 0] : vector<256x16xbf16> -> vector<16x256xbf16>
    %dot_general3A_306 = arith.constant dense<0.000000e+00> : vector<1024x256xf32>
    %dot_general3A_307 = tpu.matmul %convert_element_type3A_305, %transpose3A, %dot_general3A_306 {dimension_numbers = #tpu.dot_dimension_numbers<[1], [0], [0], [1], [0, 0, 1, 1], [], []>, transpose_lhs_hint = false} : vector<1024x16xbf16>, vector<16x256xbf16>, vector<1024x256xf32> -> vector<1024x256xf32>
    %get3A_308 = arith.constant 0 : index
    %get3A_309 = arith.constant 0 : index
    %get3A_310 = vector.load %arg2[%get3A_308, %get3A_309] : memref<1024x1xf32, #tpu.memory_space<vmem>>, vector<1024x1xf32>
    %mul3A_311 = vector.broadcast %get3A_310 : vector<1024x1xf32> to vector<1024x256xf32>
    %mul3A_312 = arith.mulf %convert_element_type3A_165, %mul3A_311 : vector<1024x256xf32>
    %mul3A_313 = arith.mulf %dot_general3A_307, %mul3A_312 : vector<1024x256xf32>
    %convert_element_type3A_314 = arith.truncf %mul3A_313 : vector<1024x256xf32> to vector<1024x256xbf16>
    %dot_general3A_315 = arith.constant dense<0.000000e+00> : vector<256x1024xf32>
    %dot_general3A_316 = tpu.matmul %convert_element_type3A_314, %convert_element_type3A, %dot_general3A_315 {dimension_numbers = #tpu.dot_dimension_numbers<[0], [0], [1], [1], [0, 1, 1, 1], [], []>, transpose_lhs_hint = false} : vector<1024x256xbf16>, vector<1024x1024xbf16>, vector<256x1024xf32> -> vector<256x1024xf32>
    %convert_element_type3A_317 = arith.truncf %dot_general3A_316 : vector<256x1024xf32> to vector<256x1024xbf16>
    %get3A_318 = arith.constant 0 : index
    %get3A_319 = arith.constant 0 : index
    %get3A_320 = vector.load %arg6[%get3A_318, %get3A_319] : memref<1024x1024xbf16, #tpu.memory_space<vmem>>, vector<1024x1024xbf16>
    %dot_general3A_321 = arith.constant dense<0.000000e+00> : vector<256x1024xf32>
    %dot_general3A_322 = tpu.matmul %convert_element_type3A_317, %get3A_320, %dot_general3A_321 {dimension_numbers = #tpu.dot_dimension_numbers<[1], [0], [0], [1], [0, 0, 1, 1], [], []>, transpose_lhs_hint = false} : vector<256x1024xbf16>, vector<1024x1024xbf16>, vector<256x1024xf32> -> vector<256x1024xf32>
    %div3A_323 = arith.constant 1.000000e+00 : f32
    %div3A_324 = vector.broadcast %div3A_323 : f32 to vector<16x16xf32>
    %div3A_325 = arith.divf %div3A_324, %dot_general3A_304 : vector<16x16xf32>
    %transpose3A_326 = tpu.transpose %convert_element_type3A_276, [1, 0] : vector<1024x16xbf16> -> vector<16x1024xbf16>
    %convert_element_type3A_327 = arith.extf %transpose3A_326 : vector<16x1024xbf16> to vector<16x1024xf32>
    %get3A_328 = arith.constant 0 : index
    %get3A_329 = arith.constant 0 : index
    %get3A_330 = vector.load %arg7[%get3A_328, %get3A_329] : memref<1x1024xf32, #tpu.memory_space<vmem>>, vector<1x1024xf32>
    %broadcast_in_dim3A = vector.shape_cast %get3A_330 : vector<1x1024xf32> to vector<1x1024xf32>
    %broadcast_in_dim3A_331 = vector.broadcast %broadcast_in_dim3A : vector<1x1024xf32> to vector<16x1024xf32>
    %slice3A_332 = vector.extract_strided_slice %dot_general3A_322 {offsets = [0, 0], sizes = [16, 1024], strides = [1, 1]} : vector<256x1024xf32> to vector<16x1024xf32>
    %slice3A_333 = vector.extract_strided_slice %convert_element_type3A_327 {offsets = [0, 0], sizes = [1, 1024], strides = [1, 1]} : vector<16x1024xf32> to vector<1x1024xf32>
    %mul3A_334 = vector.broadcast %slice3A_333 : vector<1x1024xf32> to vector<16x1024xf32>
    %mul3A_335 = arith.mulf %slice3A_332, %mul3A_334 : vector<16x1024xf32>
    %slice3A_336 = vector.extract_strided_slice %div3A_325 {offsets = [0, 0], sizes = [16, 1], strides = [1, 1]} : vector<16x16xf32> to vector<16x1xf32>
    %mul3A_337 = vector.broadcast %slice3A_336 : vector<16x1xf32> to vector<16x1024xf32>
    %mul3A_338 = arith.mulf %mul3A_335, %mul3A_337 : vector<16x1024xf32>
    %add3A_339 = arith.addf %broadcast_in_dim3A_331, %mul3A_338 : vector<16x1024xf32>
    %slice3A_340 = vector.extract_strided_slice %dot_general3A_322 {offsets = [16, 0], sizes = [16, 1024], strides = [1, 1]} : vector<256x1024xf32> to vector<16x1024xf32>
    %slice3A_341 = vector.extract_strided_slice %convert_element_type3A_327 {offsets = [1, 0], sizes = [1, 1024], strides = [1, 1]} : vector<16x1024xf32> to vector<1x1024xf32>
    %mul3A_342 = vector.broadcast %slice3A_341 : vector<1x1024xf32> to vector<16x1024xf32>
    %mul3A_343 = arith.mulf %slice3A_340, %mul3A_342 : vector<16x1024xf32>
    %slice3A_344 = vector.extract_strided_slice %div3A_325 {offsets = [0, 1], sizes = [16, 1], strides = [1, 1]} : vector<16x16xf32> to vector<16x1xf32>
    %mul3A_345 = vector.broadcast %slice3A_344 : vector<16x1xf32> to vector<16x1024xf32>
    %mul3A_346 = arith.mulf %mul3A_343, %mul3A_345 : vector<16x1024xf32>
    %add3A_347 = arith.addf %add3A_339, %mul3A_346 : vector<16x1024xf32>
    %slice3A_348 = vector.extract_strided_slice %dot_general3A_322 {offsets = [32, 0], sizes = [16, 1024], strides = [1, 1]} : vector<256x1024xf32> to vector<16x1024xf32>
    %slice3A_349 = vector.extract_strided_slice %convert_element_type3A_327 {offsets = [2, 0], sizes = [1, 1024], strides = [1, 1]} : vector<16x1024xf32> to vector<1x1024xf32>
    %mul3A_350 = vector.broadcast %slice3A_349 : vector<1x1024xf32> to vector<16x1024xf32>
    %mul3A_351 = arith.mulf %slice3A_348, %mul3A_350 : vector<16x1024xf32>
    %slice3A_352 = vector.extract_strided_slice %div3A_325 {offsets = [0, 2], sizes = [16, 1], strides = [1, 1]} : vector<16x16xf32> to vector<16x1xf32>
    %mul3A_353 = vector.broadcast %slice3A_352 : vector<16x1xf32> to vector<16x1024xf32>
    %mul3A_354 = arith.mulf %mul3A_351, %mul3A_353 : vector<16x1024xf32>
    %add3A_355 = arith.addf %add3A_347, %mul3A_354 : vector<16x1024xf32>
    %slice3A_356 = vector.extract_strided_slice %dot_general3A_322 {offsets = [48, 0], sizes = [16, 1024], strides = [1, 1]} : vector<256x1024xf32> to vector<16x1024xf32>
    %slice3A_357 = vector.extract_strided_slice %convert_element_type3A_327 {offsets = [3, 0], sizes = [1, 1024], strides = [1, 1]} : vector<16x1024xf32> to vector<1x1024xf32>
    %mul3A_358 = vector.broadcast %slice3A_357 : vector<1x1024xf32> to vector<16x1024xf32>
    %mul3A_359 = arith.mulf %slice3A_356, %mul3A_358 : vector<16x1024xf32>
    %slice3A_360 = vector.extract_strided_slice %div3A_325 {offsets = [0, 3], sizes = [16, 1], strides = [1, 1]} : vector<16x16xf32> to vector<16x1xf32>
    %mul3A_361 = vector.broadcast %slice3A_360 : vector<16x1xf32> to vector<16x1024xf32>
    %mul3A_362 = arith.mulf %mul3A_359, %mul3A_361 : vector<16x1024xf32>
    %add3A_363 = arith.addf %add3A_355, %mul3A_362 : vector<16x1024xf32>
    %slice3A_364 = vector.extract_strided_slice %dot_general3A_322 {offsets = [64, 0], sizes = [16, 1024], strides = [1, 1]} : vector<256x1024xf32> to vector<16x1024xf32>
    %slice3A_365 = vector.extract_strided_slice %convert_element_type3A_327 {offsets = [4, 0], sizes = [1, 1024], strides = [1, 1]} : vector<16x1024xf32> to vector<1x1024xf32>
    %mul3A_366 = vector.broadcast %slice3A_365 : vector<1x1024xf32> to vector<16x1024xf32>
    %mul3A_367 = arith.mulf %slice3A_364, %mul3A_366 : vector<16x1024xf32>
    %slice3A_368 = vector.extract_strided_slice %div3A_325 {offsets = [0, 4], sizes = [16, 1], strides = [1, 1]} : vector<16x16xf32> to vector<16x1xf32>
    %mul3A_369 = vector.broadcast %slice3A_368 : vector<16x1xf32> to vector<16x1024xf32>
    %mul3A_370 = arith.mulf %mul3A_367, %mul3A_369 : vector<16x1024xf32>
    %add3A_371 = arith.addf %add3A_363, %mul3A_370 : vector<16x1024xf32>
    %slice3A_372 = vector.extract_strided_slice %dot_general3A_322 {offsets = [80, 0], sizes = [16, 1024], strides = [1, 1]} : vector<256x1024xf32> to vector<16x1024xf32>
    %slice3A_373 = vector.extract_strided_slice %convert_element_type3A_327 {offsets = [5, 0], sizes = [1, 1024], strides = [1, 1]} : vector<16x1024xf32> to vector<1x1024xf32>
    %mul3A_374 = vector.broadcast %slice3A_373 : vector<1x1024xf32> to vector<16x1024xf32>
    %mul3A_375 = arith.mulf %slice3A_372, %mul3A_374 : vector<16x1024xf32>
    %slice3A_376 = vector.extract_strided_slice %div3A_325 {offsets = [0, 5], sizes = [16, 1], strides = [1, 1]} : vector<16x16xf32> to vector<16x1xf32>
    %mul3A_377 = vector.broadcast %slice3A_376 : vector<16x1xf32> to vector<16x1024xf32>
    %mul3A_378 = arith.mulf %mul3A_375, %mul3A_377 : vector<16x1024xf32>
    %add3A_379 = arith.addf %add3A_371, %mul3A_378 : vector<16x1024xf32>
    %slice3A_380 = vector.extract_strided_slice %dot_general3A_322 {offsets = [96, 0], sizes = [16, 1024], strides = [1, 1]} : vector<256x1024xf32> to vector<16x1024xf32>
    %slice3A_381 = vector.extract_strided_slice %convert_element_type3A_327 {offsets = [6, 0], sizes = [1, 1024], strides = [1, 1]} : vector<16x1024xf32> to vector<1x1024xf32>
    %mul3A_382 = vector.broadcast %slice3A_381 : vector<1x1024xf32> to vector<16x1024xf32>
    %mul3A_383 = arith.mulf %slice3A_380, %mul3A_382 : vector<16x1024xf32>
    %slice3A_384 = vector.extract_strided_slice %div3A_325 {offsets = [0, 6], sizes = [16, 1], strides = [1, 1]} : vector<16x16xf32> to vector<16x1xf32>
    %mul3A_385 = vector.broadcast %slice3A_384 : vector<16x1xf32> to vector<16x1024xf32>
    %mul3A_386 = arith.mulf %mul3A_383, %mul3A_385 : vector<16x1024xf32>
    %add3A_387 = arith.addf %add3A_379, %mul3A_386 : vector<16x1024xf32>
    %slice3A_388 = vector.extract_strided_slice %dot_general3A_322 {offsets = [112, 0], sizes = [16, 1024], strides = [1, 1]} : vector<256x1024xf32> to vector<16x1024xf32>
    %slice3A_389 = vector.extract_strided_slice %convert_element_type3A_327 {offsets = [7, 0], sizes = [1, 1024], strides = [1, 1]} : vector<16x1024xf32> to vector<1x1024xf32>
    %mul3A_390 = vector.broadcast %slice3A_389 : vector<1x1024xf32> to vector<16x1024xf32>
    %mul3A_391 = arith.mulf %slice3A_388, %mul3A_390 : vector<16x1024xf32>
    %slice3A_392 = vector.extract_strided_slice %div3A_325 {offsets = [0, 7], sizes = [16, 1], strides = [1, 1]} : vector<16x16xf32> to vector<16x1xf32>
    %mul3A_393 = vector.broadcast %slice3A_392 : vector<16x1xf32> to vector<16x1024xf32>
    %mul3A_394 = arith.mulf %mul3A_391, %mul3A_393 : vector<16x1024xf32>
    %add3A_395 = arith.addf %add3A_387, %mul3A_394 : vector<16x1024xf32>
    %slice3A_396 = vector.extract_strided_slice %dot_general3A_322 {offsets = [128, 0], sizes = [16, 1024], strides = [1, 1]} : vector<256x1024xf32> to vector<16x1024xf32>
    %slice3A_397 = vector.extract_strided_slice %convert_element_type3A_327 {offsets = [8, 0], sizes = [1, 1024], strides = [1, 1]} : vector<16x1024xf32> to vector<1x1024xf32>
    %mul3A_398 = vector.broadcast %slice3A_397 : vector<1x1024xf32> to vector<16x1024xf32>
    %mul3A_399 = arith.mulf %slice3A_396, %mul3A_398 : vector<16x1024xf32>
    %slice3A_400 = vector.extract_strided_slice %div3A_325 {offsets = [0, 8], sizes = [16, 1], strides = [1, 1]} : vector<16x16xf32> to vector<16x1xf32>
    %mul3A_401 = vector.broadcast %slice3A_400 : vector<16x1xf32> to vector<16x1024xf32>
    %mul3A_402 = arith.mulf %mul3A_399, %mul3A_401 : vector<16x1024xf32>
    %add3A_403 = arith.addf %add3A_395, %mul3A_402 : vector<16x1024xf32>
    %slice3A_404 = vector.extract_strided_slice %dot_general3A_322 {offsets = [144, 0], sizes = [16, 1024], strides = [1, 1]} : vector<256x1024xf32> to vector<16x1024xf32>
    %slice3A_405 = vector.extract_strided_slice %convert_element_type3A_327 {offsets = [9, 0], sizes = [1, 1024], strides = [1, 1]} : vector<16x1024xf32> to vector<1x1024xf32>
    %mul3A_406 = vector.broadcast %slice3A_405 : vector<1x1024xf32> to vector<16x1024xf32>
    %mul3A_407 = arith.mulf %slice3A_404, %mul3A_406 : vector<16x1024xf32>
    %slice3A_408 = vector.extract_strided_slice %div3A_325 {offsets = [0, 9], sizes = [16, 1], strides = [1, 1]} : vector<16x16xf32> to vector<16x1xf32>
    %mul3A_409 = vector.broadcast %slice3A_408 : vector<16x1xf32> to vector<16x1024xf32>
    %mul3A_410 = arith.mulf %mul3A_407, %mul3A_409 : vector<16x1024xf32>
    %add3A_411 = arith.addf %add3A_403, %mul3A_410 : vector<16x1024xf32>
    %slice3A_412 = vector.extract_strided_slice %dot_general3A_322 {offsets = [160, 0], sizes = [16, 1024], strides = [1, 1]} : vector<256x1024xf32> to vector<16x1024xf32>
    %slice3A_413 = vector.extract_strided_slice %convert_element_type3A_327 {offsets = [10, 0], sizes = [1, 1024], strides = [1, 1]} : vector<16x1024xf32> to vector<1x1024xf32>
    %mul3A_414 = vector.broadcast %slice3A_413 : vector<1x1024xf32> to vector<16x1024xf32>
    %mul3A_415 = arith.mulf %slice3A_412, %mul3A_414 : vector<16x1024xf32>
    %slice3A_416 = vector.extract_strided_slice %div3A_325 {offsets = [0, 10], sizes = [16, 1], strides = [1, 1]} : vector<16x16xf32> to vector<16x1xf32>
    %mul3A_417 = vector.broadcast %slice3A_416 : vector<16x1xf32> to vector<16x1024xf32>
    %mul3A_418 = arith.mulf %mul3A_415, %mul3A_417 : vector<16x1024xf32>
    %add3A_419 = arith.addf %add3A_411, %mul3A_418 : vector<16x1024xf32>
    %slice3A_420 = vector.extract_strided_slice %dot_general3A_322 {offsets = [176, 0], sizes = [16, 1024], strides = [1, 1]} : vector<256x1024xf32> to vector<16x1024xf32>
    %slice3A_421 = vector.extract_strided_slice %convert_element_type3A_327 {offsets = [11, 0], sizes = [1, 1024], strides = [1, 1]} : vector<16x1024xf32> to vector<1x1024xf32>
    %mul3A_422 = vector.broadcast %slice3A_421 : vector<1x1024xf32> to vector<16x1024xf32>
    %mul3A_423 = arith.mulf %slice3A_420, %mul3A_422 : vector<16x1024xf32>
    %slice3A_424 = vector.extract_strided_slice %div3A_325 {offsets = [0, 11], sizes = [16, 1], strides = [1, 1]} : vector<16x16xf32> to vector<16x1xf32>
    %mul3A_425 = vector.broadcast %slice3A_424 : vector<16x1xf32> to vector<16x1024xf32>
    %mul3A_426 = arith.mulf %mul3A_423, %mul3A_425 : vector<16x1024xf32>
    %add3A_427 = arith.addf %add3A_419, %mul3A_426 : vector<16x1024xf32>
    %slice3A_428 = vector.extract_strided_slice %dot_general3A_322 {offsets = [192, 0], sizes = [16, 1024], strides = [1, 1]} : vector<256x1024xf32> to vector<16x1024xf32>
    %slice3A_429 = vector.extract_strided_slice %convert_element_type3A_327 {offsets = [12, 0], sizes = [1, 1024], strides = [1, 1]} : vector<16x1024xf32> to vector<1x1024xf32>
    %mul3A_430 = vector.broadcast %slice3A_429 : vector<1x1024xf32> to vector<16x1024xf32>
    %mul3A_431 = arith.mulf %slice3A_428, %mul3A_430 : vector<16x1024xf32>
    %slice3A_432 = vector.extract_strided_slice %div3A_325 {offsets = [0, 12], sizes = [16, 1], strides = [1, 1]} : vector<16x16xf32> to vector<16x1xf32>
    %mul3A_433 = vector.broadcast %slice3A_432 : vector<16x1xf32> to vector<16x1024xf32>
    %mul3A_434 = arith.mulf %mul3A_431, %mul3A_433 : vector<16x1024xf32>
    %add3A_435 = arith.addf %add3A_427, %mul3A_434 : vector<16x1024xf32>
    %slice3A_436 = vector.extract_strided_slice %dot_general3A_322 {offsets = [208, 0], sizes = [16, 1024], strides = [1, 1]} : vector<256x1024xf32> to vector<16x1024xf32>
    %slice3A_437 = vector.extract_strided_slice %convert_element_type3A_327 {offsets = [13, 0], sizes = [1, 1024], strides = [1, 1]} : vector<16x1024xf32> to vector<1x1024xf32>
    %mul3A_438 = vector.broadcast %slice3A_437 : vector<1x1024xf32> to vector<16x1024xf32>
    %mul3A_439 = arith.mulf %slice3A_436, %mul3A_438 : vector<16x1024xf32>
    %slice3A_440 = vector.extract_strided_slice %div3A_325 {offsets = [0, 13], sizes = [16, 1], strides = [1, 1]} : vector<16x16xf32> to vector<16x1xf32>
    %mul3A_441 = vector.broadcast %slice3A_440 : vector<16x1xf32> to vector<16x1024xf32>
    %mul3A_442 = arith.mulf %mul3A_439, %mul3A_441 : vector<16x1024xf32>
    %add3A_443 = arith.addf %add3A_435, %mul3A_442 : vector<16x1024xf32>
    %slice3A_444 = vector.extract_strided_slice %dot_general3A_322 {offsets = [224, 0], sizes = [16, 1024], strides = [1, 1]} : vector<256x1024xf32> to vector<16x1024xf32>
    %slice3A_445 = vector.extract_strided_slice %convert_element_type3A_327 {offsets = [14, 0], sizes = [1, 1024], strides = [1, 1]} : vector<16x1024xf32> to vector<1x1024xf32>
    %mul3A_446 = vector.broadcast %slice3A_445 : vector<1x1024xf32> to vector<16x1024xf32>
    %mul3A_447 = arith.mulf %slice3A_444, %mul3A_446 : vector<16x1024xf32>
    %slice3A_448 = vector.extract_strided_slice %div3A_325 {offsets = [0, 14], sizes = [16, 1], strides = [1, 1]} : vector<16x16xf32> to vector<16x1xf32>
    %mul3A_449 = vector.broadcast %slice3A_448 : vector<16x1xf32> to vector<16x1024xf32>
    %mul3A_450 = arith.mulf %mul3A_447, %mul3A_449 : vector<16x1024xf32>
    %add3A_451 = arith.addf %add3A_443, %mul3A_450 : vector<16x1024xf32>
    %slice3A_452 = vector.extract_strided_slice %dot_general3A_322 {offsets = [240, 0], sizes = [16, 1024], strides = [1, 1]} : vector<256x1024xf32> to vector<16x1024xf32>
    %slice3A_453 = vector.extract_strided_slice %convert_element_type3A_327 {offsets = [15, 0], sizes = [1, 1024], strides = [1, 1]} : vector<16x1024xf32> to vector<1x1024xf32>
    %mul3A_454 = vector.broadcast %slice3A_453 : vector<1x1024xf32> to vector<16x1024xf32>
    %mul3A_455 = arith.mulf %slice3A_452, %mul3A_454 : vector<16x1024xf32>
    %slice3A_456 = vector.extract_strided_slice %div3A_325 {offsets = [0, 15], sizes = [16, 1], strides = [1, 1]} : vector<16x16xf32> to vector<16x1xf32>
    %mul3A_457 = vector.broadcast %slice3A_456 : vector<16x1xf32> to vector<16x1024xf32>
    %mul3A_458 = arith.mulf %mul3A_455, %mul3A_457 : vector<16x1024xf32>
    %add3A_459 = arith.addf %add3A_451, %mul3A_458 : vector<16x1024xf32>
    %convert_element_type3A_460 = arith.truncf %add3A_459 : vector<16x1024xf32> to vector<16x1024xbf16>
    %get3A_461 = arith.constant 0 : index
    %get3A_462 = arith.constant 0 : index
    %get3A_463 = vector.load %arg8[%get3A_461, %get3A_462] : memref<1024x1024xbf16, #tpu.memory_space<vmem>>, vector<1024x1024xbf16>
    %dot_general3A_464 = arith.constant dense<0.000000e+00> : vector<16x1024xf32>
    %dot_general3A_465 = tpu.matmul %convert_element_type3A_460, %get3A_463, %dot_general3A_464 {dimension_numbers = #tpu.dot_dimension_numbers<[1], [0], [0], [1], [0, 0, 1, 1], [], []>, transpose_lhs_hint = false} : vector<16x1024xbf16>, vector<1024x1024xbf16>, vector<16x1024xf32> -> vector<16x1024xf32>
    %get3A_466 = arith.constant 0 : index
    %get3A_467 = arith.constant 0 : index
    %get3A_468 = vector.load %arg9[%get3A_466, %get3A_467] : memref<1x1024xf32, #tpu.memory_space<vmem>>, vector<1x1024xf32>
    %add3A_469 = vector.broadcast %get3A_468 : vector<1x1024xf32> to vector<16x1024xf32>
    %add3A_470 = arith.addf %dot_general3A_465, %add3A_469 : vector<16x1024xf32>
    %swap3A = arith.constant 0 : index
    %swap3A_471 = arith.constant 0 : index
    %swap3A_472 = vector.load %arg10[%swap3A, %swap3A_471] : memref<16x1024xf32, #tpu.memory_space<vmem>>, vector<16x1024xf32>
    tpu.vector_store %arg10[%swap3A, %swap3A_471], %add3A_470 {strides = array<i32>} : memref<16x1024xf32, #tpu.memory_space<vmem>>, vector<16x1024xf32>,
    return
  }
  func.func @transform_0(%arg0: i32) -> (i32, i32) {
    %c0_i32 = arith.constant 0 : i32
    %c0_i32_0 = arith.constant 0 : i32
    return %arg0, %c0_i32 : i32, i32
  }
  func.func @transform_1(%arg0: i32) -> (i32, i32) {
    %add3A = arith.constant 0 : i32
    %add3A_0 = arith.addi %arg0, %add3A : i32
    %c0_i32 = arith.constant 0 : i32
    %c0_i32_1 = arith.constant 0 : i32
    return %add3A_0, %c0_i32 : i32, i32
  }
  func.func @transform_2(%arg0: i32) -> (i32, i32) {
    %c0_i32 = arith.constant 0 : i32
    %c0_i32_0 = arith.constant 0 : i32
    %c0_i32_1 = arith.constant 0 : i32
    return %c0_i32, %c0_i32_0 : i32, i32
  }
  func.func @transform_3(%arg0: i32) -> (i32, i32) {
    %c0_i32 = arith.constant 0 : i32
    %c0_i32_0 = arith.constant 0 : i32
    %c0_i32_1 = arith.constant 0 : i32
    return %c0_i32, %c0_i32_0 : i32, i32
  }
  func.func @transform_4(%arg0: i32) -> (i32, i32) {
    %c0_i32 = arith.constant 0 : i32
    %c0_i32_0 = arith.constant 0 : i32
    %c0_i32_1 = arith.constant 0 : i32
    return %c0_i32, %c0_i32_0 : i32, i32
  }
  func.func @transform_5(%arg0: i32) -> (i32, i32) {
    %c0_i32 = arith.constant 0 : i32
    %c0_i32_0 = arith.constant 0 : i32
    %c0_i32_1 = arith.constant 0 : i32
    return %c0_i32, %c0_i32_0 : i32, i32
  }
  func.func @transform_6(%arg0: i32) -> (i32, i32) {
    %c0_i32 = arith.constant 0 : i32
    %c0_i32_0 = arith.constant 0 : i32
    %c0_i32_1 = arith.constant 0 : i32
    return %c0_i32, %c0_i32_0 : i32, i32
  }
  func.func @transform_7(%arg0: i32) -> (i32, i32) {
    %c0_i32 = arith.constant 0 : i32
    %c0_i32_0 = arith.constant 0 : i32
    %c0_i32_1 = arith.constant 0 : i32
    return %c0_i32, %c0_i32_0 : i32, i32
  }
  func.func @transform_8(%arg0: i32) -> (i32, i32) {
    %c0_i32 = arith.constant 0 : i32
    %c0_i32_0 = arith.constant 0 : i32
    %c0_i32_1 = arith.constant 0 : i32
    return %c0_i32, %c0_i32_0 : i32, i32
  }
  func.func @transform_9(%arg0: i32) -> (i32, i32) {
    %c0_i32 = arith.constant 0 : i32
    %c0_i32_0 = arith.constant 0 : i32
    return %arg0, %c0_i32 : i32, i32
  }
}

</mosaic_0001>

<sc_bundles>
// kernel: deform_gather_0.3.cloned.1.call-start
scs
__scs_entry_jumppad:
0x0: {  	(pc) =	sbr.rel $0x88, $3  }
0x1: {  	(tag) =	ssettag $0x0;
	lr =	simm.s32 $0x1  }
0x2: {  	[smem:$0x3F95] =	sst lr;
	_ =	strace $0xD0000000  }
0x3: {  	_ = 	snop  }
0x4: {  	_ = 	snop  }
0x5: {  	_ = 	snop  }
0x6: {  	_ = 	snop  }
0x7: {  	_ = 	snop  }
__scs_overlays_trampoline_lowered:
0x8: {  	[smem:$0x3FA4] =	sst s0  }
0x9: {  	[smem:$0x3FA5] =	sst s1  }
0xa: {  	[smem:$0x3FA6] =	sst s2  }
0xb: {  	[smem:$0x3FA7] =	sst s3  }
0xc: {  	[smem:$0x3FA8] =	sst s4  }
0xd: {  	[smem:$0x3FA9] =	sst s5  }
0xe: {  	[smem:$0x3FAA] =	sst s6  }
0xf: {  	[smem:$0x3FAB] =	sst s7  }
0x10: {  	[smem:$0x3FAC] =	sst s8  }
0x11: {  	[smem:$0x3FAD] =	sst s9;
	s0 =	simm.s32 @!p0 $0x0  }
0x12: {  	s1 =	sld [smem:$0x3F93];
	s0 =	simm.s32 @p0 $0x1  }
0x13: {  	[smem:$0x3FAE] =	sst s0;
	s0 =	simm.s32 @!p1 $0x0  }
0x14: {  	s2 =	sld [smem:$0x3F92];
	s0 =	simm.s32 @p1 $0x1  }
0x15: {  	[smem:$0x3FAF] =	sst s0;
	s0 =	simm.s32 @!p2 $0x0  }
0x16: {  	s3 =	sld [smem:$0x3FDB];
	s0 =	simm.s32 @p2 $0x1  }
0x17: {  	s4 =	simm.s32 $0x1BF5;
	[smem:$0x3FB1] =	sst s0  }
0x18: {  	s0 =	sld [smem:$0x3F94];
	_ =	swait.ge [sflag:s4], $0x0  }
0x19: {  	s7 =	sld [smem:$0x3F95]  }
0x1a: {  	s8 =	sadd.s32 $0xFFFFE003, lr  }
0x1b: {  	s9 =	sadd.s32 $0xFFFFFEF7, lr;
	s5 =	simm.s32 $0xFFFFFFFF;
	p2 =	slt.u32 s8, $0xFFFFF086  }
0x1c: {  	p1 =	slt.u32 s9, $0xF7A;
	s5 =	simm.s32 @!p2 $0x0  }
0x1d: {  	s5 =	simm.s32 @p1 $0x1;
	p0 =	seq.s32 s7, s2  }
0x1e: {  	s7 =	smul.u32 @!p0 $0xF7A, s2;
	p2 =	seq.s32 @!p0 s5, $0x0  }
0x1f: {  	s9 =	smul.u32 $0xF7A, s1;
	s8 =	simm.s32 @!p0 $0x1BF5;
	p2 =	por !p2, p0  }
0x20: {  	[sflag:s8] =	ssyncset.s32 @!p0 $0xFFFFF086;
	s6 =	sadd.s32 @!p0 s3, s7;
	s7 =	simm.s32 @!p0 $0x108  }
0x21: {  	s3 =	sadd.s32 s3, s9;
	s6 =	sadd.s32 @!p0 $0x88, s6;
	s7 =	simm.s32 @p2 $0x1082  }
0x22: {  	[simem:s7], [sflag:s8] =	dma.local @!p0 [hbm:s6], $0xF7A  }
0x23: {  	s9 =	sor.u32 $0xD0000000, s2;
	s6 =	simm.s32 $0x108;
	_ =	swait.ge @!p0 [sflag:s8], $0x0  }
0x24: {  	s3 =	sadd.s32 $0x88, s3;
	s6 =	simm.s32 @!p1 $0x1082;
	[sflag:s4] =	ssyncset.s32 $0xFFFFF086  }
0x25: {  	[simem:s6], [sflag:s4] =	dma.local [hbm:s3], $0xF7A  }
0x26: {  	[smem:$0x3F95] =	sst s1;
	(tag) =	ssettag s2;
	_ =	strace s9  }
0x27: {  	s1 =	sld [smem:$0x3FA5]  }
0x28: {  	s2 =	sld [smem:$0x3FA6]  }
0x29: {  	s4 =	sld [smem:$0x3FA8]  }
0x2a: {  	p0 =	seq.s32 s5, $0x0;
	s5 =	sld [smem:$0x3FA9]  }
0x2b: {  	s6 =	sld [smem:$0x3FAA]  }
0x2c: {  	s7 =	sld [smem:$0x3FAB]  }
0x2d: {  	s3 =	simm.s32 $0x108;
	s8 =	sld [smem:$0x3FAC]  }
0x2e: {  	s3 =	simm.s32 @!p0 $0x1082;
	s9 =	sld [smem:$0x3FAD]  }
0x2f: {  	lr =	sadd.s32 s0, s3;
	s0 =	sld [smem:$0x3FA4]  }
0x30: {  	s3 =	sld [smem:$0x3FA7]  }
0x31: {  	[smem:$0x3FB0] =	sst s10  }
0x32: {  	s10 =	sld [smem:$0x3FAE];
	_ =	sdelay $0x3  }
0x33: {  	p0 =	seq.s32 s10, $0x1;
	s10 =	sld [smem:$0x3FB0];
	_ =	sdelay $0x3  }
0x34: {  	[smem:$0x3FB0] =	sst s10  }
0x35: {  	s10 =	sld [smem:$0x3FAF];
	_ =	sdelay $0x3  }
0x36: {  	p1 =	seq.s32 s10, $0x1;
	s10 =	sld [smem:$0x3FB0];
	_ =	sdelay $0x3  }
0x37: {  	[smem:$0x3FB0] =	sst s10  }
0x38: {  	s10 =	sld [smem:$0x3FB1]  }
0x39: {  	_ = 	snop;
	(pc) =	sbr.ind lr, $3  }
0x3a: {  	_ = 	snop  }
0x3b: {  	_ = 	snop  }
0x3c: {  	p2 =	seq.s32 s10, $0x1;
	s10 =	sld [smem:$0x3FB0]  }
0x3d: {  	_ =	shalt  }
0x3e: {  	_ =	shalt  }
0x3f: {  	_ =	shalt  }
0x40: {  	_ =	shalt  }
0x41: {  	_ =	shalt  }
0x42: {  	_ =	shalt  }
0x43: {  	_ =	shalt  }
0x44: {  	_ =	shalt  }
0x45: {  	_ =	shalt  }
0x46: {  	_ =	shalt  }
0x47: {  	_ =	shalt  }
0x48: {  	_ =	shalt  }
0x49: {  	_ =	shalt  }
0x4a: {  	_ =	shalt  }
0x4b: {  	_ =	shalt  }
0x4c: {  	_ =	shalt  }
0x4d: {  	_ =	shalt  }
0x4e: {  	_ =	shalt  }
0x4f: {  	_ =	shalt  }
0x50: {  	_ =	shalt  }
0x51: {  	_ =	shalt  }
0x52: {  	_ =	shalt  }
0x53: {  	_ =	shalt  }
0x54: {  	_ =	shalt  }
0x55: {  	_ =	shalt  }
0x56: {  	_ =	shalt  }
0x57: {  	_ =	shalt  }
0x58: {  	_ =	shalt  }
0x59: {  	_ =	shalt  }
0x5a: {  	_ =	shalt  }
0x5b: {  	_ =	shalt  }
0x5c: {  	_ =	shalt  }
0x5d: {  	_ =	shalt  }
0x5e: {  	_ =	shalt  }
0x5f: {  	_ =	shalt  }
0x60: {  	_ =	shalt  }
0x61: {  	_ =	shalt  }
0x62: {  	_ =	shalt  }
0x63: {  	_ =	shalt  }
0x64: {  	_ =	shalt  }
0x65: {  	_ =	shalt  }
0x66: {  	_ =	shalt  }
0x67: {  	_ =	shalt  }
0x68: {  	_ =	shalt  }
0x69: {  	_ =	shalt  }
0x6a: {  	_ =	shalt  }
0x6b: {  	_ =	shalt  }
0x6c: {  	_ =	shalt  }
0x6d: {  	_ =	shalt  }
0x6e: {  	_ =	shalt  }
0x6f: {  	_ =	shalt  }
0x70: {  	_ =	shalt  }
0x71: {  	_ =	shalt  }
0x72: {  	_ =	shalt  }
0x73: {  	_ =	shalt  }
0x74: {  	_ =	shalt  }
0x75: {  	_ =	shalt  }
0x76: {  	_ =	shalt  }
0x77: {  	_ =	shalt  }
0x78: {  	_ =	shalt  }
0x79: {  	_ =	shalt  }
0x7a: {  	_ =	shalt  }
0x7b: {  	_ =	shalt  }
0x7c: {  	_ =	shalt  }
0x7d: {  	_ =	shalt  }
0x7e: {  	_ =	shalt  }
0x7f: {  	_ =	shalt  }
0x80: {  	_ =	shalt  }
0x81: {  	_ =	shalt  }
0x82: {  	_ =	shalt  }
0x83: {  	_ =	shalt  }
0x84: {  	_ =	shalt  }
0x85: {  	_ =	shalt  }
0x86: {  	_ =	shalt  }
0x87: {  	_ =	shalt  }
.Lfunc_end0:
.L_simem_size_0:
called_computation_lowered:
.L_overlay_start_0:
0x88: {  	s2 =	sld [smem:$0x3FD9]  }
0x89: {  	s3 =	sld [smem:$0x3FFE];
	_ =	sdelay $0x1  }
0x8a: {  	s1 =	srdreg.scid  }
0x8b: {  	s0 =	sand.u32 $0x1, s1  }
0x8c: {  	s17 =	sshll.u32 s0, $0xA;
	s2 =	sadd.s32 s3, s2  }
0x8d: {  	s2 =	sadd.s32 s2, s17  }
0x8e: {  	[smem:$0x3FBC] =	sst s2  }
0x8f: {  	_ = 	snop  }
0x90: {  	s2 =	sld [smem:$0x3FC9]  }
0x91: {  	s18 =	sld [smem:$0x3FD0];
	(tm) =	ssettm $0x1  }
0x92: {  	s4 =	sld [smem:$0x3FFB];
	_ =	sdelay $0x3  }
0x93: {  	_ =	strace s4  }
0x94: {  	s4 =	sld [smem:$0x3FFC];
	_ =	sdelay $0x3  }
0x95: {  	_ =	strace s4  }
0x96: {  	s4 =	sld [smem:$0x3FFD];
	_ =	sdelay $0x3  }
0x97: {  	_ =	strace s4  }
0x98: {  	_ =	strace $0x8FFFFFFF  }
0x99: {  	s19 =	sld [smem:$0x3FDB];
	_ =	sdelay $0x1  }
0x9a: {  	s5 =	simm.s32 $_scs_section_size  }
0x9b: {  	s6 =	simm.s32 $_size__tile_overlayer_lowered;
	s7 =	simm.s32 $_tile_overlayer_lowered  }
0x9c: {  	s22 =	simm.s32 $0x1BFF;
	s21 =	sshll.u32 s7, $0x1;
	s4 =	sadd.s32 s5, s19  }
0x9d: {  	s8 =	simm.s32 $0x0;
	s20 =	sshll.u32 s6, $0x1;
	s6 =	sadd.s32 s21, s4  }
0x9e: {  	[timem:s8], [sflag:s22] =	dma.local [hbm:s6], s20  }
0x9f: {  	_ =	swait.ge [sflag:s22], s20  }
0xa0: {  	s5 =	ssub.s32 $0x0, s20;
	[sflag:s22] =	ssyncset.done $0x0  }
0xa1: {  	[sflag:s22] =	ssyncadd.s32 s5;
	_ =	sdelay $0x1  }
0xa2: {  	s23 =	simm.s32 $0x1B8B  }
0xa3: {  	_ =	swait.ge [sflag:s23], $0x1  }
0xa4: {  	[sflag:s23] =	ssyncset.done $0x0  }
0xa5: {  	s25 =	simm.s32 $0x1B8E;
	s24 =	sld [smem:$0x3FFE];
	[sflag:s23] =	ssyncadd.s32 $0xFFFFFFFF  }
0xa6: {  	s26 =	simm.s32 $execute0_lowered;
	[smem:$0x3FD2] =	sst s25  }
0xa7: {  	s6 =	sshll.u32 s26, $0x1;
	_ =	strace $0x80000046;
	[dreg:$0x1] =	wrdreg $0xFFFFFFFF  }
0xa8: {  	s28 =	simm.s32 $_size_execute0_lowered;
	s4 =	sadd.s32 s4, s6;
	[dreg:$0x0] =	wrdreg $0x0  }
0xa9: {  	s6 =	sshll.u32 s28, $0x1;
	[dreg:$0x2] =	wrdreg s4  }
0xaa: {  	[dreg:$0x3] =	wrdreg s6  }
0xab: {  	[dreg:$0x4] =	wrdreg $0xC0  }
0xac: {  	_ =	task [dreg:s8], $0x5FFFF  }
0xad: {  	[dreg:$0x1] =	wrdreg $0xFFFFFFFF  }
0xae: {  	[dreg:$0x0] =	wrdreg $0x60  }
0xaf: {  	[dreg:$0x2] =	wrdreg s2  }
0xb0: {  	[dreg:$0x3] =	wrdreg s18  }
0xb1: {  	[dreg:$0x4] =	wrdreg s24  }
0xb2: {  	[dreg:$0x5] =	wrdreg $0x9  }
0xb3: {  	_ =	task.clear_ibuf [dreg:s8], $0x6FFFF;
	_ =	strace $0x90000046  }
0xb4: {  	s29 =	simm.s32 $0x9;
	_ =	strace $0x80000048  }
0xb5: {  	_ =	swait.ge [sflag:s29], $0x1  }
0xb6: {  	[sflag:s29] =	ssyncadd.s32 $0xFFFFFFFF  }
0xb7: {  	_ =	strace $0x90000048  }
0xb8: {  	_ =	sfence  }
0xb9: {  	s30 =	sld [smem:$0x0];
	_ =	sdelay $0x2  }
0xba: {  	s31 =	sshll.u32 s1, $0xD;
	s1 =	sshrl.u32 s1, $0x2  }
0xbb: {  	s3 =	sand.u32 $0x4000, s31;
	s1 =	sadd.s32 s1, s30  }
0xbc: {  	s0 =	sor.u32 s3, s0;
	s1 =	sshll.u32 s1, $0x11  }
0xbd: {  	s0 =	sor.u32 s1, s0  }
0xbe: {  	s0 =	sadd.s32 $0x8F2B, s0  }
0xbf: {  	[sflag:s0] =	ssyncadd.remote.s32 $0x1  }
0xc0: {  	_ =	sfence.sel $0xFFFF  }
0xc1: {  	[dreg:$0x0] =	wrdreg $0xFFFFFFFF;
	(pc) =	sbr.abs _section_cstart, $3  }
0xc2: {  	[dreg:$0x1] =	wrdreg $0xFFFFFFFF  }
0xc3: {  	_ =	task.clear_ibuf [dreg:s8], $0x2FFFF;
	_ =	strace $0x9FFFFFFF  }
0xc4: {  	(tm) =	ssettm $0x7FFFFFFF  }
0xc5: {  	_ =	shalt  }
tec
execute0_lowered:
.L_overlay_start_1:
0x0: {  	(tag) =	ssettag $0x1  }
0x1: {  	s1 =	rddreg [dreg:$0x0]  }
0x2: {  	s0 =	rddreg [dreg:$0x1]  }
0x3: {  	s2 =	rddreg [dreg:$0x2];
	s3 =	simm.s32 $0x0;
	s4 =	srdreg.scid  }
0x4: {  	s8 =	stileid.u32;
	s18 =	simm.s32 $0x1;
	s28 =	simm.s32 $0x4080  }
0x5: {  	s29 =	simm.s32 $0x4880;
	s30 =	simm.s32 $0x5080;
	s31 =	simm.s32 $0x5880  }
0x6: {  	s11 =	simm.s32 $0x7880;
	s12 =	simm.s32 $0x8080;
	s13 =	simm.s32 $0x8880  }
0x7: {  	s14 =	simm.s32 $0x9080;
	s15 =	simm.s32 $0x9880;
	s16 =	simm.s32 $0xA080  }
0x8: {  	s17 =	simm.s32 $0xA880;
	[smem:$0x7FF] =	sst s3;
	s4 =	sand.u32 $0x1, s4  }
0x9: {  	s5 =	sshll.u32 s8, $0x1;
	s2 =	sadd.s32 $0x1C00, s2;
	s20 =	sshll.u32 s8, $0x6  }
0xa: {  	s8 =	simm.s32 $0x2;
	_ =	strace $0x80000047;
	s6 =	ssub.s32 $0x2, s4  }
0xb: {  	s7 =	sor.u32 s4, s5;
	s22 =	sand.u32 $0x380, s20;
	s4 =	sadd.s32 $0x100, s1  }
0xc: {  	s5 =	sadd.s32 $0x200, s1;
	s20 =	simm.s32 $0x880;
	s19 =	sshrl.u32 s6, $0x1  }
0xd: {  	s21 =	sshll.u32 s7, $0x5;
	s24 =	sshllo.u32 s7, $0x1;
	s7 =	sshll.u32 s7, $0xE  }
0xe: {  	s9 =	ssub.s32 s6, s19;
	s23 =	sadd.s32 s0, s21;
	s10 =	sshll.u32 s24, $0x4  }
0xf: {  	s7 =	sadd.s32 s2, s7;
	s0 =	sadd.s32 s0, s22;
	s25 =	sshll.u32 s24, $0xD  }
0x10: {  	s6 =	sadd.s32 $0x300, s1;
	s21 =	simm.s32 $0x1080;
	s22 =	simm.s32 $0x1880  }
0x11: {  	s24 =	simm.s32 $0x2880;
	[dreg:$0x4] =	wrdreg s23;
	s10 =	sand.u32 $0x70, s10  }
0x12: {  	[dreg:$0x5] =	wrdreg s7;
	s26 =	sadd.s32 s2, s25;
	s7 =	smax.u32 s9, $0x1  }
0x13: {  	v2 =	vlaneseq.u32;
	s23 =	simm.s32 $0x2080;
	s25 =	simm.s32 $0x3080;
	s9 =	simm.s32 $0xB080  }
0x14: {  	vm0 =	vmmov $0xffff;
	v1 =	vshrl.u32 v2, $0x3;
	s0 =	sadd.s32 s10, s0;
	[dreg:$0x7] =	wrdreg s26;
	s26 =	simm.s32 $0x3880  }
0x15: {  	v0 =	vand.u32 $0x7, v2;
	v2 =	vor.u32 $0x8, v2;
	v1 =	vmul.u32 $0x8, v1;
	s10 =	simm.s32 $0x7080;
	[dreg:$0x6] =	wrdreg s0;
	s0 =	simm.s32 $0x80  }
.LBB2_1:
0x16: {  	s19 =	rddreg [dreg:$0x4]  }
0x17: {  	[tilespmem:s3], [sflag:$0x2] =	stream.linear.gather [hbm4b:s19+s3], $0x80, $0x38;
	[tilespmem:$0x10080] =	vst v63  }
0x18: {  	_ =	swait.ge [sflag:s8], $0x80  }
0x19: {  	[sflag:s8] =	ssyncset.done $0x0  }
0x1a: {  	[sflag:s8] =	ssyncadd.s32 $0xFFFFFF80  }
0x1b: {  	v3 =	vld [tilespmem:$0x0];
	_ =	sdelay $0x4  }
0x1c: {  	v4 =	vshll.u32 v3, $0x3  }
0x1d: {  	v3 =	vand.u32 $0x7, v3;
	v4 =	vand.u32 $0xFFFFFFC0, v4  }
0x1e: {  	v3 =	vor.u32 v3, v4  }
0x1f: {  	v4 =	vperm.xlane v3, v0;
	_ =	sdelay $0x1  }
0x20: {  	v4 =	vadd.s32 v1, v4;
	_ =	sdelay $0x4  }
0x21: {  	[tilespmem:s0], [sflag:$0x1] =	stream.indirect_vreg.gather [hbm4b:s1+s3], $0x80, v4, vm0, $0xb8;
	[tilespmem:$0x10080] =	vst v63  }
0x22: {  	v3 =	vperm.xlane v3, v2  }
0x23: {  	[tilespmem:s20], [sflag:$0x1] =	stream.indirect_vreg.gather [hbm4b:s4+s3], $0x80, v4, vm0, $0xb8;
	[tilespmem:$0x10080] =	vst v63  }
0x24: {  	v3 =	vadd.s32 v1, v3  }
0x25: {  	[tilespmem:s21], [sflag:$0x1] =	stream.indirect_vreg.gather [hbm4b:s5+s3], $0x80, v4, vm0, $0xb8;
	[tilespmem:$0x10080] =	vst v63  }
0x26: {  	_ = 	snop  }
0x27: {  	[tilespmem:s22], [sflag:$0x1] =	stream.indirect_vreg.gather [hbm4b:s6+s3], $0x80, v4, vm0, $0xb8;
	[tilespmem:$0x10080] =	vst v63  }
0x28: {  	_ = 	snop  }
0x29: {  	[tilespmem:s23], [sflag:$0x1] =	stream.indirect_vreg.gather [hbm4b:s1+s3], $0x80, v3, vm0, $0xb8;
	[tilespmem:$0x10080] =	vst v63  }
0x2a: {  	_ = 	snop  }
0x2b: {  	[tilespmem:s24], [sflag:$0x1] =	stream.indirect_vreg.gather [hbm4b:s4+s3], $0x80, v3, vm0, $0xb8;
	[tilespmem:$0x10080] =	vst v63  }
0x2c: {  	_ = 	snop  }
0x2d: {  	[tilespmem:s25], [sflag:$0x1] =	stream.indirect_vreg.gather [hbm4b:s5+s3], $0x80, v3, vm0, $0xb8;
	[tilespmem:$0x10080] =	vst v63  }
0x2e: {  	_ = 	snop  }
0x2f: {  	[tilespmem:s26], [sflag:$0x1] =	stream.indirect_vreg.gather [hbm4b:s6+s3], $0x80, v3, vm0, $0xb8;
	[tilespmem:$0x10080] =	vst v63  }
0x30: {  	v3 =	vld [tilespmem:$0x10];
	_ =	sdelay $0x4  }
0x31: {  	v57 =	vshll.u32 v3, $0x3  }
0x32: {  	v3 =	vand.u32 $0x7, v3;
	v4 =	vand.u32 $0xFFFFFFC0, v57  }
0x33: {  	v3 =	vor.u32 v3, v4  }
0x34: {  	v4 =	vperm.xlane v3, v0;
	_ =	sdelay $0x1  }
0x35: {  	v4 =	vadd.s32 v1, v4;
	_ =	sdelay $0x4  }
0x36: {  	[tilespmem:s28], [sflag:$0x1] =	stream.indirect_vreg.gather [hbm4b:s1+s3], $0x80, v4, vm0, $0xb8;
	[tilespmem:$0x10080] =	vst v63  }
0x37: {  	v3 =	vperm.xlane v3, v2  }
0x38: {  	[tilespmem:s29], [sflag:$0x1] =	stream.indirect_vreg.gather [hbm4b:s4+s3], $0x80, v4, vm0, $0xb8;
	[tilespmem:$0x10080] =	vst v63  }
0x39: {  	v3 =	vadd.s32 v1, v3  }
0x3a: {  	[tilespmem:s30], [sflag:$0x1] =	stream.indirect_vreg.gather [hbm4b:s5+s3], $0x80, v4, vm0, $0xb8;
	[tilespmem:$0x10080] =	vst v63  }
0x3b: {  	_ = 	snop  }
0x3c: {  	[tilespmem:s31], [sflag:$0x1] =	stream.indirect_vreg.gather [hbm4b:s6+s3], $0x80, v4, vm0, $0xb8;
	[tilespmem:$0x10080] =	vst v63  }
0x3d: {  	s2 =	simm.s32 $0x6080  }
0x3e: {  	[tilespmem:s2], [sflag:$0x1] =	stream.indirect_vreg.gather [hbm4b:s1+s3], $0x80, v3, vm0, $0xb8;
	[tilespmem:$0x10080] =	vst v63  }
0x3f: {  	s2 =	simm.s32 $0x6880  }
0x40: {  	[tilespmem:s2], [sflag:$0x1] =	stream.indirect_vreg.gather [hbm4b:s4+s3], $0x80, v3, vm0, $0xb8;
	[tilespmem:$0x10080] =	vst v63  }
0x41: {  	_ = 	snop  }
0x42: {  	[tilespmem:s10], [sflag:$0x1] =	stream.indirect_vreg.gather [hbm4b:s5+s3], $0x80, v3, vm0, $0xb8;
	[tilespmem:$0x10080] =	vst v63  }
0x43: {  	_ = 	snop  }
0x44: {  	[tilespmem:s11], [sflag:$0x1] =	stream.indirect_vreg.gather [hbm4b:s6+s3], $0x80, v3, vm0, $0xb8;
	[tilespmem:$0x10080] =	vst v63  }
0x45: {  	v3 =	vld [tilespmem:$0x20];
	_ =	sdelay $0x4  }
0x46: {  	v58 =	vshll.u32 v3, $0x3  }
0x47: {  	v3 =	vand.u32 $0x7, v3;
	v4 =	vand.u32 $0xFFFFFFC0, v58  }
0x48: {  	v3 =	vor.u32 v3, v4  }
0x49: {  	v4 =	vperm.xlane v3, v0;
	_ =	sdelay $0x1  }
0x4a: {  	v4 =	vadd.s32 v1, v4;
	_ =	sdelay $0x4  }
0x4b: {  	[tilespmem:s12], [sflag:$0x1] =	stream.indirect_vreg.gather [hbm4b:s1+s3], $0x80, v4, vm0, $0xb8;
	[tilespmem:$0x10080] =	vst v63  }
0x4c: {  	v3 =	vperm.xlane v3, v2  }
0x4d: {  	[tilespmem:s13], [sflag:$0x1] =	stream.indirect_vreg.gather [hbm4b:s4+s3], $0x80, v4, vm0, $0xb8;
	[tilespmem:$0x10080] =	vst v63  }
0x4e: {  	v3 =	vadd.s32 v1, v3  }
0x4f: {  	[tilespmem:s14], [sflag:$0x1] =	stream.indirect_vreg.gather [hbm4b:s5+s3], $0x80, v4, vm0, $0xb8;
	[tilespmem:$0x10080] =	vst v63  }
0x50: {  	_ = 	snop  }
0x51: {  	[tilespmem:s15], [sflag:$0x1] =	stream.indirect_vreg.gather [hbm4b:s6+s3], $0x80, v4, vm0, $0xb8;
	[tilespmem:$0x10080] =	vst v63  }
0x52: {  	_ = 	snop  }
0x53: {  	[tilespmem:s16], [sflag:$0x1] =	stream.indirect_vreg.gather [hbm4b:s1+s3], $0x80, v3, vm0, $0xb8;
	[tilespmem:$0x10080] =	vst v63  }
0x54: {  	_ = 	snop  }
0x55: {  	[tilespmem:s17], [sflag:$0x1] =	stream.indirect_vreg.gather [hbm4b:s4+s3], $0x80, v3, vm0, $0xb8;
	[tilespmem:$0x10080] =	vst v63  }
0x56: {  	_ = 	snop  }
0x57: {  	[tilespmem:s9], [sflag:$0x1] =	stream.indirect_vreg.gather [hbm4b:s5+s3], $0x80, v3, vm0, $0xb8;
	[tilespmem:$0x10080] =	vst v63  }
0x58: {  	s19 =	simm.s32 $0xB880  }
0x59: {  	[tilespmem:s19], [sflag:$0x1] =	stream.indirect_vreg.gather [hbm4b:s6+s3], $0x80, v3, vm0, $0xb8;
	[tilespmem:$0x10080] =	vst v63  }
0x5a: {  	v3 =	vld [tilespmem:$0x30];
	_ =	sdelay $0x4  }
0x5b: {  	v59 =	vshll.u32 v3, $0x3  }
0x5c: {  	v3 =	vand.u32 $0x7, v3;
	v4 =	vand.u32 $0xFFFFFFC0, v59  }
0x5d: {  	v3 =	vor.u32 v3, v4  }
0x5e: {  	v4 =	vperm.xlane v3, v0;
	_ =	sdelay $0x1  }
0x5f: {  	v4 =	vadd.s32 v1, v4;
	_ =	sdelay $0x3  }
0x60: {  	s19 =	simm.s32 $0xC080  }
0x61: {  	[tilespmem:s19], [sflag:$0x1] =	stream.indirect_vreg.gather [hbm4b:s1+s3], $0x80, v4, vm0, $0xb8;
	[tilespmem:$0x10080] =	vst v63  }
0x62: {  	v3 =	vperm.xlane v3, v2;
	s19 =	simm.s32 $0xC880  }
0x63: {  	[tilespmem:s19], [sflag:$0x1] =	stream.indirect_vreg.gather [hbm4b:s4+s3], $0x80, v4, vm0, $0xb8;
	[tilespmem:$0x10080] =	vst v63  }
0x64: {  	v3 =	vadd.s32 v1, v3;
	s19 =	simm.s32 $0xD080  }
0x65: {  	[tilespmem:s19], [sflag:$0x1] =	stream.indirect_vreg.gather [hbm4b:s5+s3], $0x80, v4, vm0, $0xb8;
	[tilespmem:$0x10080] =	vst v63  }
0x66: {  	s19 =	simm.s32 $0xD880  }
0x67: {  	[tilespmem:s19], [sflag:$0x1] =	stream.indirect_vreg.gather [hbm4b:s6+s3], $0x80, v4, vm0, $0xb8;
	[tilespmem:$0x10080] =	vst v63  }
0x68: {  	s19 =	simm.s32 $0xE080  }
0x69: {  	[tilespmem:s19], [sflag:$0x1] =	stream.indirect_vreg.gather [hbm4b:s1+s3], $0x80, v3, vm0, $0xb8;
	[tilespmem:$0x10080] =	vst v63  }
0x6a: {  	s19 =	simm.s32 $0xE880  }
0x6b: {  	[tilespmem:s19], [sflag:$0x1] =	stream.indirect_vreg.gather [hbm4b:s4+s3], $0x80, v3, vm0, $0xb8;
	[tilespmem:$0x10080] =	vst v63  }
0x6c: {  	s19 =	simm.s32 $0xF080  }
0x6d: {  	[tilespmem:s19], [sflag:$0x1] =	stream.indirect_vreg.gather [hbm4b:s5+s3], $0x80, v3, vm0, $0xb8;
	[tilespmem:$0x10080] =	vst v63  }
0x6e: {  	s19 =	simm.s32 $0xF880  }
0x6f: {  	[tilespmem:s19], [sflag:$0x1] =	stream.indirect_vreg.gather [hbm4b:s6+s3], $0x80, v3, vm0, $0xb8;
	[tilespmem:$0x10080] =	vst v63  }
0x70: {  	_ =	swait.ge [sflag:s18], $0x10000  }
0x71: {  	[sflag:s18] =	ssyncset.done $0x0  }
0x72: {  	s19 =	rddreg [dreg:$0x5];
	[sflag:s18] =	ssyncadd.s32 $0xFFFF0000  }
0x73: {  	[hbm4b:s19+s3] =	stream.linear.scatter [tilespmem:s0], [sflag:$0x2], $0x10000, $0x38;
	[tilespmem:$0x10080] =	vst v63  }
0x74: {  	_ =	swait.ge [sflag:s8], $0x10000  }
0x75: {  	[sflag:s8] =	ssyncset.done $0x0  }
0x76: {  	s19 =	rddreg [dreg:$0x6];
	[sflag:s8] =	ssyncadd.s32 $0xFFFF0000  }
0x77: {  	[tilespmem:s3], [sflag:$0x2] =	stream.linear.gather [hbm4b:s19+s3], $0x80, $0x38;
	[tilespmem:$0x10080] =	vst v63  }
0x78: {  	_ =	swait.ge [sflag:s8], $0x80  }
0x79: {  	[sflag:s8] =	ssyncset.done $0x0  }
0x7a: {  	[sflag:s8] =	ssyncadd.s32 $0xFFFFFF80  }
0x7b: {  	v3 =	vld [tilespmem:$0x0];
	_ =	sdelay $0x4  }
0x7c: {  	v60 =	vshll.u32 v3, $0x3  }
0x7d: {  	v3 =	vand.u32 $0x7, v3;
	v4 =	vand.u32 $0xFFFFFFC0, v60  }
0x7e: {  	v3 =	vor.u32 v3, v4  }
0x7f: {  	v4 =	vperm.xlane v3, v0;
	_ =	sdelay $0x1  }
0x80: {  	v4 =	vadd.s32 v1, v4;
	_ =	sdelay $0x4  }
0x81: {  	[tilespmem:s0], [sflag:$0x1] =	stream.indirect_vreg.gather [hbm4b:s1+s3], $0x80, v4, vm0, $0xb8;
	[tilespmem:$0x10080] =	vst v63  }
0x82: {  	v3 =	vperm.xlane v3, v2  }
0x83: {  	[tilespmem:s20], [sflag:$0x1] =	stream.indirect_vreg.gather [hbm4b:s4+s3], $0x80, v4, vm0, $0xb8;
	[tilespmem:$0x10080] =	vst v63  }
0x84: {  	v3 =	vadd.s32 v1, v3  }
0x85: {  	[tilespmem:s21], [sflag:$0x1] =	stream.indirect_vreg.gather [hbm4b:s5+s3], $0x80, v4, vm0, $0xb8;
	[tilespmem:$0x10080] =	vst v63  }
0x86: {  	_ = 	snop  }
0x87: {  	[tilespmem:s22], [sflag:$0x1] =	stream.indirect_vreg.gather [hbm4b:s6+s3], $0x80, v4, vm0, $0xb8;
	[tilespmem:$0x10080] =	vst v63  }
0x88: {  	_ = 	snop  }
0x89: {  	[tilespmem:s23], [sflag:$0x1] =	stream.indirect_vreg.gather [hbm4b:s1+s3], $0x80, v3, vm0, $0xb8;
	[tilespmem:$0x10080] =	vst v63  }
0x8a: {  	_ = 	snop  }
0x8b: {  	[tilespmem:s24], [sflag:$0x1] =	stream.indirect_vreg.gather [hbm4b:s4+s3], $0x80, v3, vm0, $0xb8;
	[tilespmem:$0x10080] =	vst v63  }
0x8c: {  	_ = 	snop  }
0x8d: {  	[tilespmem:s25], [sflag:$0x1] =	stream.indirect_vreg.gather [hbm4b:s5+s3], $0x80, v3, vm0, $0xb8;
	[tilespmem:$0x10080] =	vst v63  }
0x8e: {  	_ = 	snop  }
0x8f: {  	[tilespmem:s26], [sflag:$0x1] =	stream.indirect_vreg.gather [hbm4b:s6+s3], $0x80, v3, vm0, $0xb8;
	[tilespmem:$0x10080] =	vst v63  }
0x90: {  	v3 =	vld [tilespmem:$0x10];
	_ =	sdelay $0x4  }
0x91: {  	v61 =	vshll.u32 v3, $0x3  }
0x92: {  	v3 =	vand.u32 $0x7, v3;
	v4 =	vand.u32 $0xFFFFFFC0, v61  }
0x93: {  	v3 =	vor.u32 v3, v4  }
0x94: {  	v4 =	vperm.xlane v3, v0;
	_ =	sdelay $0x1  }
0x95: {  	v4 =	vadd.s32 v1, v4;
	_ =	sdelay $0x4  }
0x96: {  	[tilespmem:s28], [sflag:$0x1] =	stream.indirect_vreg.gather [hbm4b:s1+s3], $0x80, v4, vm0, $0xb8;
	[tilespmem:$0x10080] =	vst v63  }
0x97: {  	v3 =	vperm.xlane v3, v2  }
0x98: {  	[tilespmem:s29], [sflag:$0x1] =	stream.indirect_vreg.gather [hbm4b:s4+s3], $0x80, v4, vm0, $0xb8;
	[tilespmem:$0x10080] =	vst v63  }
0x99: {  	v3 =	vadd.s32 v1, v3  }
0x9a: {  	[tilespmem:s30], [sflag:$0x1] =	stream.indirect_vreg.gather [hbm4b:s5+s3], $0x80, v4, vm0, $0xb8;
	[tilespmem:$0x10080] =	vst v63  }
0x9b: {  	_ = 	snop  }
0x9c: {  	[tilespmem:s31], [sflag:$0x1] =	stream.indirect_vreg.gather [hbm4b:s6+s3], $0x80, v4, vm0, $0xb8;
	[tilespmem:$0x10080] =	vst v63  }
0x9d: {  	s19 =	simm.s32 $0x6080  }
0x9e: {  	[tilespmem:s19], [sflag:$0x1] =	stream.indirect_vreg.gather [hbm4b:s1+s3], $0x80, v3, vm0, $0xb8;
	[tilespmem:$0x10080] =	vst v63  }
0x9f: {  	_ = 	snop  }
0xa0: {  	[tilespmem:s2], [sflag:$0x1] =	stream.indirect_vreg.gather [hbm4b:s4+s3], $0x80, v3, vm0, $0xb8;
	[tilespmem:$0x10080] =	vst v63  }
0xa1: {  	_ = 	snop  }
0xa2: {  	[tilespmem:s10], [sflag:$0x1] =	stream.indirect_vreg.gather [hbm4b:s5+s3], $0x80, v3, vm0, $0xb8;
	[tilespmem:$0x10080] =	vst v63  }
0xa3: {  	_ = 	snop  }
0xa4: {  	[tilespmem:s11], [sflag:$0x1] =	stream.indirect_vreg.gather [hbm4b:s6+s3], $0x80, v3, vm0, $0xb8;
	[tilespmem:$0x10080] =	vst v63  }
0xa5: {  	v3 =	vld [tilespmem:$0x20];
	_ =	sdelay $0x4  }
0xa6: {  	v62 =	vshll.u32 v3, $0x3  }
0xa7: {  	v3 =	vand.u32 $0x7, v3;
	v4 =	vand.u32 $0xFFFFFFC0, v62  }
0xa8: {  	v3 =	vor.u32 v3, v4  }
0xa9: {  	v4 =	vperm.xlane v3, v0;
	_ =	sdelay $0x1  }
0xaa: {  	v4 =	vadd.s32 v1, v4;
	_ =	sdelay $0x4  }
0xab: {  	[tilespmem:s12], [sflag:$0x1] =	stream.indirect_vreg.gather [hbm4b:s1+s3], $0x80, v4, vm0, $0xb8;
	[tilespmem:$0x10080] =	vst v63  }
0xac: {  	v3 =	vperm.xlane v3, v2  }
0xad: {  	[tilespmem:s13], [sflag:$0x1] =	stream.indirect_vreg.gather [hbm4b:s4+s3], $0x80, v4, vm0, $0xb8;
	[tilespmem:$0x10080] =	vst v63  }
0xae: {  	v3 =	vadd.s32 v1, v3  }
0xaf: {  	[tilespmem:s14], [sflag:$0x1] =	stream.indirect_vreg.gather [hbm4b:s5+s3], $0x80, v4, vm0, $0xb8;
	[tilespmem:$0x10080] =	vst v63  }
0xb0: {  	_ = 	snop  }
0xb1: {  	[tilespmem:s15], [sflag:$0x1] =	stream.indirect_vreg.gather [hbm4b:s6+s3], $0x80, v4, vm0, $0xb8;
	[tilespmem:$0x10080] =	vst v63  }
0xb2: {  	_ = 	snop  }
0xb3: {  	[tilespmem:s16], [sflag:$0x1] =	stream.indirect_vreg.gather [hbm4b:s1+s3], $0x80, v3, vm0, $0xb8;
	[tilespmem:$0x10080] =	vst v63  }
0xb4: {  	_ = 	snop  }
0xb5: {  	[tilespmem:s17], [sflag:$0x1] =	stream.indirect_vreg.gather [hbm4b:s4+s3], $0x80, v3, vm0, $0xb8;
	[tilespmem:$0x10080] =	vst v63  }
0xb6: {  	_ = 	snop  }
0xb7: {  	[tilespmem:s9], [sflag:$0x1] =	stream.indirect_vreg.gather [hbm4b:s5+s3], $0x80, v3, vm0, $0xb8;
	[tilespmem:$0x10080] =	vst v63  }
0xb8: {  	s19 =	simm.s32 $0xB880  }
0xb9: {  	[tilespmem:s19], [sflag:$0x1] =	stream.indirect_vreg.gather [hbm4b:s6+s3], $0x80, v3, vm0, $0xb8;
	[tilespmem:$0x10080] =	vst v63  }
0xba: {  	v3 =	vld [tilespmem:$0x30];
	_ =	sdelay $0x4  }
0xbb: {  	v63 =	vshll.u32 v3, $0x3  }
0xbc: {  	v3 =	vand.u32 $0x7, v3;
	v4 =	vand.u32 $0xFFFFFFC0, v63  }
0xbd: {  	v3 =	vor.u32 v3, v4  }
0xbe: {  	v4 =	vperm.xlane v3, v0;
	_ =	sdelay $0x1  }
0xbf: {  	v4 =	vadd.s32 v1, v4;
	_ =	sdelay $0x3  }
0xc0: {  	s19 =	simm.s32 $0xC080  }
0xc1: {  	[tilespmem:s19], [sflag:$0x1] =	stream.indirect_vreg.gather [hbm4b:s1+s3], $0x80, v4, vm0, $0xb8;
	[tilespmem:$0x10080] =	vst v63  }
0xc2: {  	v3 =	vperm.xlane v3, v2;
	s19 =	simm.s32 $0xC880  }
0xc3: {  	[tilespmem:s19], [sflag:$0x1] =	stream.indirect_vreg.gather [hbm4b:s4+s3], $0x80, v4, vm0, $0xb8;
	[tilespmem:$0x10080] =	vst v63  }
0xc4: {  	v3 =	vadd.s32 v1, v3;
	s19 =	simm.s32 $0xD080  }
0xc5: {  	[tilespmem:s19], [sflag:$0x1] =	stream.indirect_vreg.gather [hbm4b:s5+s3], $0x80, v4, vm0, $0xb8;
	[tilespmem:$0x10080] =	vst v63  }
0xc6: {  	s19 =	simm.s32 $0xD880  }
0xc7: {  	[tilespmem:s19], [sflag:$0x1] =	stream.indirect_vreg.gather [hbm4b:s6+s3], $0x80, v4, vm0, $0xb8;
	[tilespmem:$0x10080] =	vst v63  }
0xc8: {  	s19 =	simm.s32 $0xE080  }
0xc9: {  	[tilespmem:s19], [sflag:$0x1] =	stream.indirect_vreg.gather [hbm4b:s1+s3], $0x80, v3, vm0, $0xb8;
	[tilespmem:$0x10080] =	vst v63  }
0xca: {  	s19 =	simm.s32 $0xE880  }
0xcb: {  	[tilespmem:s19], [sflag:$0x1] =	stream.indirect_vreg.gather [hbm4b:s4+s3], $0x80, v3, vm0, $0xb8;
	[tilespmem:$0x10080] =	vst v63  }
0xcc: {  	s19 =	simm.s32 $0xF080  }
0xcd: {  	[tilespmem:s19], [sflag:$0x1] =	stream.indirect_vreg.gather [hbm4b:s5+s3], $0x80, v3, vm0, $0xb8;
	[tilespmem:$0x10080] =	vst v63  }
0xce: {  	s19 =	simm.s32 $0xF880  }
0xcf: {  	[tilespmem:s19], [sflag:$0x1] =	stream.indirect_vreg.gather [hbm4b:s6+s3], $0x80, v3, vm0, $0xb8;
	[tilespmem:$0x10080] =	vst v63  }
0xd0: {  	_ =	swait.ge [sflag:s18], $0x10000  }
0xd1: {  	p0 =	sne.s32 s7, $0x1;
	[sflag:s18] =	ssyncset.done $0x0  }
.Ltmp0:
0xd2: {  	s2 =	rddreg [dreg:$0x7];
	[sflag:s18] =	ssyncadd.s32 $0xFFFF0000;
	(pc) =	sbr.rel @p0 .LBB2_1-.Ltmp0, $4  }
0xd3: {  	[hbm4b:s2+s3] =	stream.linear.scatter [tilespmem:s0], [sflag:$0x2], $0x10000, $0x38;
	[tilespmem:$0x10080] =	vst v63  }
0xd4: {  	_ =	swait.ge [sflag:s8], $0x10000  }
0xd5: {  	[sflag:s8] =	ssyncset.done $0x0  }
0xd6: {  	s7 =	sadd.s32 $0xFFFFFFFF, s7;
	[sflag:s8] =	ssyncadd.s32 $0xFFFF0000  }
0xd7: {  	_ =	sfence.sel $0x180000  }
0xd8: {  	[bflag:$0x0] =	sbarrier.arrive $0xFFFF  }
0xd9: {  	_ =	strace $0x90000047  }
0xda: {  	s0 =	stileid.u32;
	[bflag:$0x2] =	sbarrier.arrive $0xFFFF  }
0xdb: {  	p0 =	sne.s32 s0, $0x0;
	s0 =	rddreg [dreg:$0x3]  }
0xdc: {  	s0 =	sadd.s32 @!p0 $0x100000, s0  }
0xdd: {  	[sflag:s0] =	ssyncadd.tile.s32 @!p0 $0x1;
	_ =	shalt  }
.Lfunc_end2:
_tile_overlayer_lowered:
.L_overlay_start_2:
0xde: {  	(tag) =	ssettag $0x2  }
0xdf: {  	s0 =	rddreg [dreg:$0x0];
	s2 =	stileid.u32  }
0xe0: {  	s1 =	rddreg [dreg:$0x1];
	p0 =	sne.s32 s2, $0x0  }
0xe1: {  	s3 =	rddreg [dreg:$0x2];
	[bflag:$0x3] =	sbarrier.arrive $0xFFFF;
	s2 =	simm.s32 @!p0 $0x1C02  }
0xe2: {  	[timem:s3], [sflag:s2] =	dma.local @!p0 [hbm:s0], s1  }
0xe3: {  	s0 =	simm.s32 @!p0 $0x2  }
0xe4: {  	_ =	swait.ge @!p0 [sflag:s0], s1  }
0xe5: {  	s1 =	ssub.s32 @!p0 $0x0, s1;
	[sflag:s0] =	ssyncset.done @!p0 $0x0  }
0xe6: {  	[sflag:s0] =	ssyncadd.s32 @!p0 s1  }
0xe7: {  	[bflag:$0x3] =	sbarrier.arrive $0xFFFF  }
0xe8: {  	_ =	shalt  }

</sc_bundles>
